<compile_context>
chip_gen: v7x
topology: tpu7x:2x2x1
jax: 0.10.2.dev20260603
libtpu: 0.0.44.dev20260713+nightly
codegen_flags: <defaults>
</compile_context>

<pallas_src>
import functools

import jax
import jax.numpy as jnp
from jax import lax
from jax.experimental import pallas as pl
from jax.experimental.pallas import tpu as pltpu
from jax.experimental.pallas import tpu_sc as plsc


def _shift(x, axis, s, forward, identity):
    n = x.shape[axis]
    pad_shape = list(x.shape)
    pad_shape[axis] = s
    pad = jnp.full(pad_shape, identity, dtype=x.dtype)
    if forward:
        body = lax.slice_in_dim(x, 0, n - s, axis=axis)
        return jnp.concatenate([pad, body], axis=axis)
    else:
        body = lax.slice_in_dim(x, s, n, axis=axis)
        return jnp.concatenate([body, pad], axis=axis)


def _cumprod_ks(x, axis, forward):
    n = x.shape[axis]
    s = 1
    while s < n:
        x = x * _shift(x, axis, s, forward, 1.0)
        s *= 2
    return x



def _gate_kernel(xt_ref, wp_ref, dtw_ref, bias_ref, alog_ref,
                 w_ref, f_ref, gg_ref, *, NS, CH, D):
    XT = xt_ref[0]
    wp = wp_ref[...]
    dtw = dtw_ref[...]
    R = dtw.shape[1]
    xdbl = lax.dot_general(XT, wp, (((1,), (1,)), ((), ())),
                           preferred_element_type=jnp.float32)
    dts = lax.dot_general(xdbl[:, 0:R], dtw, (((1,), (1,)), ((), ())),
                          preferred_element_type=jnp.float32)
    sp = jax.nn.softplus(dts + bias_ref[...])
    A = -jnp.exp(alog_ref[...])
    w = jnp.exp(sp * A)
    f = sp * xdbl[:, R:R + 1] * XT
    w_ref[0] = w
    f_ref[0] = f

    wn = _shift(w, 0, 1, False, 0.0)
    W3 = w.reshape(NS, CH, D)
    WN3 = wn.reshape(NS, CH, D)
    F3 = f.reshape(NS, CH, D)

    cps = _cumprod_ks(W3, 1, forward=False)
    sufP = _shift(cps, 1, 1, False, 1.0)
    P2 = cps[:, 0, :]
    E2 = jnp.sum(sufP * F3, axis=1)

    cpp = _cumprod_ks(WN3, 1, forward=True)
    preP = _shift(cpp, 1, 1, True, 1.0)
    Q2 = cpp[:, CH - 1, :]
    S2 = jnp.sum(preP * F3, axis=1)

    g_rows = [jnp.zeros((1, D), jnp.float32)]
    for s in range(1, NS):
        g_rows.append(P2[s - 1:s, :] * g_rows[s - 1] + E2[s - 1:s, :])
    gr_rows = [jnp.zeros((1, D), jnp.float32)] * NS
    for s in range(NS - 2, -1, -1):
        gr_rows[s] = Q2[s + 1:s + 2, :] * gr_rows[s + 1] + S2[s + 1:s + 2, :]
    G2 = jnp.concatenate(g_rows, axis=0).reshape(NS, 1, D)
    GR2 = jnp.concatenate(gr_rows, axis=0).reshape(NS, 1, D)
    gg_ref[0] = jnp.concatenate([G2, GR2], axis=1)



def _sc_scan_kernel(w_hbm, f_hbm, gg_hbm, out_hbm, w_v, f_v, o_v,
                    c_v, sem, *, CH, D, NS):
    NV = D // 16
    c = lax.axis_index("c")
    s = lax.axis_index("s")

    @pl.when(s < NS)
    def _():
        base = s * CH
        cp_w = pltpu.async_copy(w_hbm.at[c, pl.ds(base, CH), :],
                                w_v.at[pl.ds(0, CH), :], sem)
        cp_f = pltpu.async_copy(f_hbm.at[c, pl.ds(base, CH), :], f_v, sem)
        cp_g = pltpu.async_copy(gg_hbm.at[c, s], c_v, sem)

        @pl.when(s == NS - 1)
        def _():
            for j in range(NV):
                w_v[CH, pl.ds(16 * j, 16)] = jnp.zeros((16,), jnp.float32)

        @pl.when(s < NS - 1)
        def _():
            pltpu.async_copy(w_hbm.at[c, pl.ds(base + CH, 1), :],
                             w_v.at[pl.ds(CH, 1), :], sem).wait()

        cp_w.wait()
        cp_f.wait()
        cp_g.wait()

        def c_fwd(t, H):
            H = list(H)
            for j in range(NV):
                wv = w_v[t, pl.ds(16 * j, 16)]
                fv = f_v[t, pl.ds(16 * j, 16)]
                H[j] = wv * H[j] + fv
                o_v[t, pl.ds(16 * j, 16)] = H[j]
            return tuple(H)

        G = tuple(c_v[0, pl.ds(16 * j, 16)] for j in range(NV))
        lax.fori_loop(0, CH, c_fwd, G)

        def c_bwd(i, H):
            t = CH - 1 - i
            H = list(H)
            for j in range(NV):
                wv = w_v[t + 1, pl.ds(16 * j, 16)]
                fv = f_v[t, pl.ds(16 * j, 16)]
                H[j] = wv * H[j] + fv
                o_v[t, pl.ds(16 * j, 16)] = (
                    o_v[t, pl.ds(16 * j, 16)] + H[j] - fv)
            return tuple(H)

        Gr = tuple(c_v[1, pl.ds(16 * j, 16)] for j in range(NV))
        lax.fori_loop(0, CH, c_bwd, Gr)

        pltpu.sync_copy(o_v, out_hbm.at[c, pl.ds(base, CH), :])



def _post_kernel(xt_ref, ft_ref, wp_ref, ds_ref, hw_ref, hb_ref, ow_ref,
                 ob_ref, out_ref):
    XT = xt_ref[0]
    FT = ft_ref[0]
    wp = wp_ref[...]
    cw = wp[wp.shape[0] - 1:, :]
    Cs = lax.dot_general(XT, cw, (((1,), (1,)), ((), ())),
                         preferred_element_type=jnp.float32)
    eps = 1e-5
    mu = jnp.mean(FT, axis=-1, keepdims=True)
    var = jnp.mean((FT - mu) ** 2, axis=-1, keepdims=True)
    out = (FT - mu) * lax.rsqrt(var + eps) * hw_ref[...] + hb_ref[...]
    y = out * Cs + ds_ref[...] * XT
    mu2 = jnp.mean(y, axis=-1, keepdims=True)
    var2 = jnp.mean((y - mu2) ** 2, axis=-1, keepdims=True)
    out_ref[0] = (y - mu2) * lax.rsqrt(var2 + eps) * ow_ref[...] + ob_ref[...]



def kernel(x, x_proj_weight, dt_projs_weight, dt_projs_bias, A_logs, Ds,
           h_norm_w, h_norm_b, out_norm_w, out_norm_b):
    B, D, H, W = x.shape
    L = H * W
    NS = 14
    CH = L // NS
    assert CH * NS == L and CH % 8 == 0 and D % 16 == 0

    xt = jnp.transpose(x.reshape(B, D, L), (0, 2, 1)).astype(jnp.float32)
    wp = x_proj_weight[0].astype(jnp.float32)
    dtw = dt_projs_weight[0].astype(jnp.float32)
    bias = dt_projs_bias.reshape(1, D).astype(jnp.float32)
    alog = A_logs.reshape(1, D).astype(jnp.float32)
    ds = Ds.reshape(1, D).astype(jnp.float32)
    hw = h_norm_w.reshape(1, D).astype(jnp.float32)
    hb = h_norm_b.reshape(1, D).astype(jnp.float32)
    ow = out_norm_w.reshape(1, D).astype(jnp.float32)
    ob = out_norm_b.reshape(1, D).astype(jnp.float32)

    vec = pl.BlockSpec((1, D), lambda b: (0, 0))
    mat = lambda shape: pl.BlockSpec(shape, lambda b: (0, 0))
    big = pl.BlockSpec((1, L, D), lambda b: (b, 0, 0))
    car = pl.BlockSpec((1, NS, 2, D), lambda b: (b, 0, 0, 0))
    shp = jax.ShapeDtypeStruct((B, L, D), jnp.float32)
    cshp = jax.ShapeDtypeStruct((B, NS, 2, D), jnp.float32)

    w, f, gg = pl.pallas_call(
        functools.partial(_gate_kernel, NS=NS, CH=CH, D=D),
        grid=(B,),
        in_specs=[big, mat(wp.shape), mat(dtw.shape), vec, vec],
        out_specs=[big, big, car],
        out_shape=[shp, shp, cshp],
    )(xt, wp, dtw, bias, alog)

    sc_mesh = plsc.VectorSubcoreMesh(core_axis_name="c", subcore_axis_name="s",
                                     num_cores=2, num_subcores=16)
    ft = pl.kernel(
        functools.partial(_sc_scan_kernel, CH=CH, D=D, NS=NS),
        out_type=shp,
        mesh=sc_mesh,
        scratch_types=[
            pltpu.VMEM((CH + 1, D), jnp.float32),
            pltpu.VMEM((CH, D), jnp.float32),
            pltpu.VMEM((CH, D), jnp.float32),
            pltpu.VMEM((2, D), jnp.float32),
            pltpu.SemaphoreType.DMA,
        ],
    )(w, f, gg)

    y = pl.pallas_call(
        _post_kernel,
        grid=(B,),
        in_specs=[big, big, mat(wp.shape), vec, vec, vec, vec, vec],
        out_specs=big,
        out_shape=shp,
    )(xt, ft, wp, ds, hw, hb, ow, ob)

    return y.reshape(B, H, W, D).astype(x.dtype)

# --- scband reference (transcript-rebuilt; emitter-appended) ---
"""Pipeline reference for scband-tree-ssm-45990509806149 (READ-ONLY COPY).

The authoritative reference and input builder live on the scoring server;
editing this copy changes nothing except your own understanding.
"""

import jax, jax.numpy as jnp
import numpy as np


def _layernorm(x, w, b, eps=1e-5):
    mu = jnp.mean(x, axis=-1, keepdims=True)
    var = jnp.mean((x - mu) ** 2, axis=-1, keepdims=True)
    return (x - mu) / jnp.sqrt(var + eps) * w + b


def _tree_ssm_forward(x, x_proj_weight, dt_projs_weight, dt_projs_bias, A_logs, Ds, h_norm_w, h_norm_b, out_norm_w, out_norm_b):
    B, D, H, W = x.shape
    L = H * W
    K = 1
    N = A_logs.shape[1]
    R = dt_projs_weight.shape[-1]
    xs = x.reshape(B, K, D, L)
    # x_dbl = einsum('b k d l, k c d -> b k c l')
    x_dbl = jnp.einsum('bkdl,kcd->bkcl', xs, x_proj_weight)
    dts = x_dbl[:, :, :R, :]
    Bs = x_dbl[:, :, R:R + N, :]
    Cs = x_dbl[:, :, R + N:, :]
    dts = jnp.einsum('bkrl,kdr->bkdl', dts, dt_projs_weight)
    xs_f = xs.reshape(B, D, L).astype(jnp.float32)
    dts_f = dts.reshape(B, D, L).astype(jnp.float32)
    As = -jnp.exp(A_logs.astype(jnp.float32))  # (D, N), N=1
    delta_bias = dt_projs_bias.reshape(-1).astype(jnp.float32)
    dts_sp = jax.nn.softplus(dts_f + delta_bias[None, :, None])
    deltaA = jnp.exp(dts_sp * As.reshape(1, D, 1))  # (B, D, L) edge weights
    deltaB = dts_sp.reshape(B, K, D, L) * Bs.astype(jnp.float32)
    BX = deltaB * xs_f.reshape(B, K, D, L)
    feat_in = BX.reshape(B, D, L)
    # Tree refine over the raster-order chain MST (BFS order == raster order):
    # bidirectional weighted aggregation along tree edges (tree filter).
    feat_t = jnp.transpose(feat_in, (2, 0, 1))  # (L, B, D)
    w_t = jnp.transpose(deltaA, (2, 0, 1))      # (L, B, D), w_t[l] = edge(parent(l), l)

    def step(h, inp):
        wl, fl = inp
        h = wl * h + fl
        return h, h

    h0 = jnp.zeros((B, D), dtype=feat_t.dtype)
    _, fwd_out = jax.lax.scan(step, h0, (w_t, feat_t))
    w_next = jnp.concatenate([w_t[1:], jnp.zeros_like(w_t[:1])], axis=0)
    _, bwd_rev = jax.lax.scan(step, h0, (w_next[::-1], feat_t[::-1]))
    bwd_out = bwd_rev[::-1]
    feature_out = fwd_out + bwd_out - feat_t  # (L, B, D)
    h_seq = jnp.transpose(feature_out, (1, 0, 2))  # (B, L, D)
    out = _layernorm(h_seq, h_norm_w, h_norm_b)
    # y = (out @ C) with K=1, N=1: per-token scalar C
    c = Cs.reshape(B, N, L)[:, 0, :].astype(jnp.float32)  # (B, L)
    y = out * c[:, :, None]                   # (B, L, D)
    y = jnp.transpose(y, (0, 2, 1))           # (B, D, L)
    y = y + Ds.reshape(1, D, 1).astype(jnp.float32) * xs_f
    y = jnp.transpose(y, (0, 2, 1))           # (B, L, D)
    y = _layernorm(y, out_norm_w, out_norm_b)
    return y.reshape(B, H, W, D).astype(x.dtype)


def setup_inputs(seed: int = 0) -> dict:
    key = jax.random.key(seed)
    ks = jax.random.split(key, 8)
    B, D, H, W = 2, 96, 56, 56
    N, R = 1, 6
    x = jax.random.normal(ks[0], (B, D, H, W), dtype=jnp.float32)
    x_proj_weight = jax.random.normal(ks[1], (1, R + 2 * N, D), dtype=jnp.float32) * 0.02
    dt_projs_weight = jax.random.normal(ks[2], (1, D, R), dtype=jnp.float32) * 0.02
    dt_projs_bias = jax.random.normal(ks[3], (D,), dtype=jnp.float32) * 0.02
    A_logs = jax.random.uniform(ks[4], (D, N), dtype=jnp.float32, minval=-1.0, maxval=1.0)
    Ds = jnp.ones((D,), dtype=jnp.float32)
    h_norm_w = jnp.ones((D,), dtype=jnp.float32)
    h_norm_b = jnp.zeros((D,), dtype=jnp.float32)
    out_norm_w = jnp.ones((D,), dtype=jnp.float32)
    out_norm_b = jnp.zeros((D,), dtype=jnp.float32)
    return {
        'x': x,
        'x_proj_weight': x_proj_weight,
        'dt_projs_weight': dt_projs_weight,
        'dt_projs_bias': dt_projs_bias,
        'A_logs': A_logs,
        'Ds': Ds,
        'h_norm_w': h_norm_w,
        'h_norm_b': h_norm_b,
        'out_norm_w': out_norm_w,
        'out_norm_b': out_norm_b,
    }


def reference(x, x_proj_weight, dt_projs_weight, dt_projs_bias, A_logs, Ds, h_norm_w, h_norm_b, out_norm_w, out_norm_b):
    return _tree_ssm_forward(x, x_proj_weight, dt_projs_weight, dt_projs_bias, A_logs, Ds, h_norm_w, h_norm_b, out_norm_w, out_norm_b)

if __name__ == "__main__":
    import jax
    _d = setup_inputs()
    print(jax.jit(kernel)(*tuple(_d.values())))

</pallas_src>

<mosaic_0001>
#map = affine_map<(d0, d1) -> (0, 0, 0)>
#map1 = affine_map<(d0, d1) -> (0, 0, 0, 0)>
module attributes {stable_mosaic.version = 14 : i64} {
  func.func @_sc_scan_kernel(%arg0: i32, %arg1: i32, %arg2: memref<2x3136x96xf32, #tpu.memory_space<hbm>>, %arg3: memref<2x3136x96xf32, #tpu.memory_space<hbm>>, %arg4: memref<2x14x2x96xf32, #tpu.memory_space<hbm>>, %arg5: memref<2x3136x96xf32, #tpu.memory_space<hbm>>, %arg6: memref<225x96xf32, #tpu.memory_space<vmem>>, %arg7: memref<224x96xf32, #tpu.memory_space<vmem>>, %arg8: memref<224x96xf32, #tpu.memory_space<vmem>>, %arg9: memref<2x96xf32, #tpu.memory_space<vmem>>, %arg10: memref<!tpu.dma_semaphore, #tpu.memory_space<semaphore_mem>>) attributes {dimension_semantics = [#tpu.dimension_semantics<core_parallel>, #tpu.dimension_semantics<subcore_parallel>], iteration_bounds = array<i64: 2, 16>, scalar_prefetch = 0 : i64, scratch_operands = 5 : i64, tpu.core_type = #tpu.core_type<sc_vector_subcore>, window_params = [{transform_indices = #map}, {transform_indices = #map}, {transform_indices = #map1}, {transform_indices = #map}]} {
    %lt3A = arith.constant 14 : i32
    %lt3A_0 = arith.cmpi slt, %arg1, %lt3A : i32
    %convert_element_type3A = arith.extui %lt3A_0 : i1 to i32
    %cond3A = arith.constant 0 : i32
    %cond3A_1 = arith.cmpi ne, %convert_element_type3A, %cond3A : i32
    scf.if %cond3A_1 {
      %mul3A = arith.constant 224 : i32
      %mul3A_2 = arith.muli %arg1, %mul3A : i32
      %dma_start3A = arith.constant 0 : i32
      %dma_start3A_3 = arith.constant 0 : i32
      %dma_start3A_4 = tpu.memref_slice %arg6[%dma_start3A, %dma_start3A_3] : memref<225x96xf32, #tpu.memory_space<vmem>> -> memref<224x96xf32, #tpu.memory_space<vmem>>
      %dma_start3A_5 = arith.constant 0 : i32
      %dma_start3A_6 = tpu.memref_slice %arg2[%arg0, %mul3A_2, %dma_start3A_5] : memref<2x3136x96xf32, #tpu.memory_space<hbm>> -> memref<1x224x96xf32, #tpu.memory_space<hbm>>
      %dma_start3A_7 = tpu.memref_squeeze %dma_start3A_6 : memref<1x224x96xf32, #tpu.memory_space<hbm>> -> memref<224x96xf32, #tpu.memory_space<hbm>>
      %dma_start3A_8 = arith.constant 0 : i32
      %dma_start3A_9 = arith.constant 0 : i32
      %dma_start3A_10 = tpu.memref_slice %arg6[%dma_start3A_8, %dma_start3A_9] : memref<225x96xf32, #tpu.memory_space<vmem>> -> memref<224x96xf32, #tpu.memory_space<vmem>>
      %dma_start3A_11 = arith.constant 0 : i32
      %dma_start3A_12 = tpu.memref_slice %arg2[%arg0, %mul3A_2, %dma_start3A_11] : memref<2x3136x96xf32, #tpu.memory_space<hbm>> -> memref<1x224x96xf32, #tpu.memory_space<hbm>>
      %dma_start3A_13 = tpu.memref_squeeze %dma_start3A_12 : memref<1x224x96xf32, #tpu.memory_space<hbm>> -> memref<224x96xf32, #tpu.memory_space<hbm>>
      tpu.enqueue_dma source(%dma_start3A_13 : memref<224x96xf32, #tpu.memory_space<hbm>>) target(%dma_start3A_10 : memref<224x96xf32, #tpu.memory_space<vmem>>) target_semaphore(%arg10 : memref<!tpu.dma_semaphore, #tpu.memory_space<semaphore_mem>>)
      %dma_start3A_14 = arith.constant 0 : i32
      %dma_start3A_15 = tpu.memref_slice %arg3[%arg0, %mul3A_2, %dma_start3A_14] : memref<2x3136x96xf32, #tpu.memory_space<hbm>> -> memref<1x224x96xf32, #tpu.memory_space<hbm>>
      %dma_start3A_16 = tpu.memref_squeeze %dma_start3A_15 : memref<1x224x96xf32, #tpu.memory_space<hbm>> -> memref<224x96xf32, #tpu.memory_space<hbm>>
      %dma_start3A_17 = arith.constant 0 : i32
      %dma_start3A_18 = tpu.memref_slice %arg3[%arg0, %mul3A_2, %dma_start3A_17] : memref<2x3136x96xf32, #tpu.memory_space<hbm>> -> memref<1x224x96xf32, #tpu.memory_space<hbm>>
      %dma_start3A_19 = tpu.memref_squeeze %dma_start3A_18 : memref<1x224x96xf32, #tpu.memory_space<hbm>> -> memref<224x96xf32, #tpu.memory_space<hbm>>
      tpu.enqueue_dma source(%dma_start3A_19 : memref<224x96xf32, #tpu.memory_space<hbm>>) target(%arg7 : memref<224x96xf32, #tpu.memory_space<vmem>>) target_semaphore(%arg10 : memref<!tpu.dma_semaphore, #tpu.memory_space<semaphore_mem>>)
      %dma_start3A_20 = arith.constant 0 : i32
      %dma_start3A_21 = arith.constant 0 : i32
      %dma_start3A_22 = tpu.memref_slice %arg4[%arg0, %arg1, %dma_start3A_20, %dma_start3A_21] : memref<2x14x2x96xf32, #tpu.memory_space<hbm>> -> memref<1x1x2x96xf32, #tpu.memory_space<hbm>>
      %dma_start3A_23 = tpu.memref_squeeze %dma_start3A_22 : memref<1x1x2x96xf32, #tpu.memory_space<hbm>> -> memref<2x96xf32, #tpu.memory_space<hbm>>
      %dma_start3A_24 = arith.constant 0 : i32
      %dma_start3A_25 = arith.constant 0 : i32
      %dma_start3A_26 = tpu.memref_slice %arg4[%arg0, %arg1, %dma_start3A_24, %dma_start3A_25] : memref<2x14x2x96xf32, #tpu.memory_space<hbm>> -> memref<1x1x2x96xf32, #tpu.memory_space<hbm>>
      %dma_start3A_27 = tpu.memref_squeeze %dma_start3A_26 : memref<1x1x2x96xf32, #tpu.memory_space<hbm>> -> memref<2x96xf32, #tpu.memory_space<hbm>>
      tpu.enqueue_dma source(%dma_start3A_27 : memref<2x96xf32, #tpu.memory_space<hbm>>) target(%arg9 : memref<2x96xf32, #tpu.memory_space<vmem>>) target_semaphore(%arg10 : memref<!tpu.dma_semaphore, #tpu.memory_space<semaphore_mem>>)
      %eq3A = arith.constant 13 : i32
      %eq3A_28 = arith.cmpi eq, %arg1, %eq3A : i32
      %convert_element_type3A_29 = arith.extui %eq3A_28 : i1 to i32
      %cond3A_30 = arith.constant 0 : i32
      %cond3A_31 = arith.cmpi ne, %convert_element_type3A_29, %cond3A_30 : i32
      scf.if %cond3A_31 {
        %broadcast_in_dim3A = arith.constant 0.000000e+00 : f32
        %broadcast_in_dim3A_132 = vector.broadcast %broadcast_in_dim3A : f32 to vector<16xf32>
        %swap3A = arith.constant 224 : i32
        %swap3A_133 = arith.index_cast %swap3A : i32 to index
        %swap3A_134 = arith.constant 0 : index
        %swap3A_135 = tpu.vector_load %arg6[%swap3A_133, %swap3A_134] {strides = array<i32>} : memref<225x96xf32, #tpu.memory_space<vmem>>, vector<1x16xf32>,
        %swap3A_136 = vector.shape_cast %swap3A_135 : vector<1x16xf32> to vector<16xf32>
        %swap3A_137 = vector.shape_cast %broadcast_in_dim3A_132 : vector<16xf32> to vector<1x16xf32>
        tpu.vector_store %arg6[%swap3A_133, %swap3A_134], %swap3A_137 {strides = array<i32>} : memref<225x96xf32, #tpu.memory_space<vmem>>, vector<1x16xf32>,
        %broadcast_in_dim3A_138 = arith.constant 0.000000e+00 : f32
        %broadcast_in_dim3A_139 = vector.broadcast %broadcast_in_dim3A_138 : f32 to vector<16xf32>
        %swap3A_140 = arith.constant 224 : i32
        %swap3A_141 = arith.index_cast %swap3A_140 : i32 to index
        %swap3A_142 = arith.constant 16 : index
        %swap3A_143 = tpu.vector_load %arg6[%swap3A_141, %swap3A_142] {strides = array<i32>} : memref<225x96xf32, #tpu.memory_space<vmem>>, vector<1x16xf32>,
        %swap3A_144 = vector.shape_cast %swap3A_143 : vector<1x16xf32> to vector<16xf32>
        %swap3A_145 = vector.shape_cast %broadcast_in_dim3A_139 : vector<16xf32> to vector<1x16xf32>
        tpu.vector_store %arg6[%swap3A_141, %swap3A_142], %swap3A_145 {strides = array<i32>} : memref<225x96xf32, #tpu.memory_space<vmem>>, vector<1x16xf32>,
        %broadcast_in_dim3A_146 = arith.constant 0.000000e+00 : f32
        %broadcast_in_dim3A_147 = vector.broadcast %broadcast_in_dim3A_146 : f32 to vector<16xf32>
        %swap3A_148 = arith.constant 224 : i32
        %swap3A_149 = arith.index_cast %swap3A_148 : i32 to index
        %swap3A_150 = arith.constant 32 : index
        %swap3A_151 = tpu.vector_load %arg6[%swap3A_149, %swap3A_150] {strides = array<i32>} : memref<225x96xf32, #tpu.memory_space<vmem>>, vector<1x16xf32>,
        %swap3A_152 = vector.shape_cast %swap3A_151 : vector<1x16xf32> to vector<16xf32>
        %swap3A_153 = vector.shape_cast %broadcast_in_dim3A_147 : vector<16xf32> to vector<1x16xf32>
        tpu.vector_store %arg6[%swap3A_149, %swap3A_150], %swap3A_153 {strides = array<i32>} : memref<225x96xf32, #tpu.memory_space<vmem>>, vector<1x16xf32>,
        %broadcast_in_dim3A_154 = arith.constant 0.000000e+00 : f32
        %broadcast_in_dim3A_155 = vector.broadcast %broadcast_in_dim3A_154 : f32 to vector<16xf32>
        %swap3A_156 = arith.constant 224 : i32
        %swap3A_157 = arith.index_cast %swap3A_156 : i32 to index
        %swap3A_158 = arith.constant 48 : index
        %swap3A_159 = tpu.vector_load %arg6[%swap3A_157, %swap3A_158] {strides = array<i32>} : memref<225x96xf32, #tpu.memory_space<vmem>>, vector<1x16xf32>,
        %swap3A_160 = vector.shape_cast %swap3A_159 : vector<1x16xf32> to vector<16xf32>
        %swap3A_161 = vector.shape_cast %broadcast_in_dim3A_155 : vector<16xf32> to vector<1x16xf32>
        tpu.vector_store %arg6[%swap3A_157, %swap3A_158], %swap3A_161 {strides = array<i32>} : memref<225x96xf32, #tpu.memory_space<vmem>>, vector<1x16xf32>,
        %broadcast_in_dim3A_162 = arith.constant 0.000000e+00 : f32
        %broadcast_in_dim3A_163 = vector.broadcast %broadcast_in_dim3A_162 : f32 to vector<16xf32>
        %swap3A_164 = arith.constant 224 : i32
        %swap3A_165 = arith.index_cast %swap3A_164 : i32 to index
        %swap3A_166 = arith.constant 64 : index
        %swap3A_167 = tpu.vector_load %arg6[%swap3A_165, %swap3A_166] {strides = array<i32>} : memref<225x96xf32, #tpu.memory_space<vmem>>, vector<1x16xf32>,
        %swap3A_168 = vector.shape_cast %swap3A_167 : vector<1x16xf32> to vector<16xf32>
        %swap3A_169 = vector.shape_cast %broadcast_in_dim3A_163 : vector<16xf32> to vector<1x16xf32>
        tpu.vector_store %arg6[%swap3A_165, %swap3A_166], %swap3A_169 {strides = array<i32>} : memref<225x96xf32, #tpu.memory_space<vmem>>, vector<1x16xf32>,
        %broadcast_in_dim3A_170 = arith.constant 0.000000e+00 : f32
        %broadcast_in_dim3A_171 = vector.broadcast %broadcast_in_dim3A_170 : f32 to vector<16xf32>
        %swap3A_172 = arith.constant 224 : i32
        %swap3A_173 = arith.index_cast %swap3A_172 : i32 to index
        %swap3A_174 = arith.constant 80 : index
        %swap3A_175 = tpu.vector_load %arg6[%swap3A_173, %swap3A_174] {strides = array<i32>} : memref<225x96xf32, #tpu.memory_space<vmem>>, vector<1x16xf32>,
        %swap3A_176 = vector.shape_cast %swap3A_175 : vector<1x16xf32> to vector<16xf32>
        %swap3A_177 = vector.shape_cast %broadcast_in_dim3A_171 : vector<16xf32> to vector<1x16xf32>
        tpu.vector_store %arg6[%swap3A_173, %swap3A_174], %swap3A_177 {strides = array<i32>} : memref<225x96xf32, #tpu.memory_space<vmem>>, vector<1x16xf32>,
      } else {
      }
      %lt3A_32 = arith.constant 13 : i32
      %lt3A_33 = arith.cmpi slt, %arg1, %lt3A_32 : i32
      %convert_element_type3A_34 = arith.extui %lt3A_33 : i1 to i32
      %cond3A_35 = arith.constant 0 : i32
      %cond3A_36 = arith.cmpi ne, %convert_element_type3A_34, %cond3A_35 : i32
      scf.if %cond3A_36 {
        %add3A = arith.constant 224 : i32
        %add3A_132 = arith.addi %mul3A_2, %add3A : i32
        %dma_start3A_133 = arith.constant 224 : i32
        %dma_start3A_134 = arith.constant 0 : i32
        %dma_start3A_135 = tpu.memref_slice %arg6[%dma_start3A_133, %dma_start3A_134] : memref<225x96xf32, #tpu.memory_space<vmem>> -> memref<1x96xf32, #tpu.memory_space<vmem>>
        %dma_start3A_136 = arith.constant 0 : i32
        %dma_start3A_137 = tpu.memref_slice %arg2[%arg0, %add3A_132, %dma_start3A_136] : memref<2x3136x96xf32, #tpu.memory_space<hbm>> -> memref<1x1x96xf32, #tpu.memory_space<hbm>>
        %dma_start3A_138 = tpu.memref_squeeze %dma_start3A_137 : memref<1x1x96xf32, #tpu.memory_space<hbm>> -> memref<1x96xf32, #tpu.memory_space<hbm>>
        %dma_start3A_139 = arith.constant 224 : i32
        %dma_start3A_140 = arith.constant 0 : i32
        %dma_start3A_141 = tpu.memref_slice %arg6[%dma_start3A_139, %dma_start3A_140] : memref<225x96xf32, #tpu.memory_space<vmem>> -> memref<1x96xf32, #tpu.memory_space<vmem>>
        %dma_start3A_142 = arith.constant 0 : i32
        %dma_start3A_143 = tpu.memref_slice %arg2[%arg0, %add3A_132, %dma_start3A_142] : memref<2x3136x96xf32, #tpu.memory_space<hbm>> -> memref<1x1x96xf32, #tpu.memory_space<hbm>>
        %dma_start3A_144 = tpu.memref_squeeze %dma_start3A_143 : memref<1x1x96xf32, #tpu.memory_space<hbm>> -> memref<1x96xf32, #tpu.memory_space<hbm>>
        tpu.enqueue_dma source(%dma_start3A_144 : memref<1x96xf32, #tpu.memory_space<hbm>>) target(%dma_start3A_141 : memref<1x96xf32, #tpu.memory_space<vmem>>) target_semaphore(%arg10 : memref<!tpu.dma_semaphore, #tpu.memory_space<semaphore_mem>>)
        %dma_wait3A_145 = arith.constant 224 : i32
        %dma_wait3A_146 = arith.constant 0 : i32
        %dma_wait3A_147 = tpu.memref_slice %arg6[%dma_wait3A_145, %dma_wait3A_146] : memref<225x96xf32, #tpu.memory_space<vmem>> -> memref<1x96xf32, #tpu.memory_space<vmem>>
        %dma_wait3A_148 = arith.constant 0 : i32
        %dma_wait3A_149 = tpu.memref_slice %arg2[%arg0, %add3A_132, %dma_wait3A_148] : memref<2x3136x96xf32, #tpu.memory_space<hbm>> -> memref<1x1x96xf32, #tpu.memory_space<hbm>>
        %dma_wait3A_150 = tpu.memref_squeeze %dma_wait3A_149 : memref<1x1x96xf32, #tpu.memory_space<hbm>> -> memref<1x96xf32, #tpu.memory_space<hbm>>
        %dma_wait3A_151 = arith.constant 224 : i32
        %dma_wait3A_152 = arith.constant 0 : i32
        %dma_wait3A_153 = tpu.memref_slice %arg6[%dma_wait3A_151, %dma_wait3A_152] : memref<225x96xf32, #tpu.memory_space<vmem>> -> memref<1x96xf32, #tpu.memory_space<vmem>>
        %dma_wait3A_154 = arith.constant 0 : i32
        %dma_wait3A_155 = tpu.memref_slice %arg2[%arg0, %add3A_132, %dma_wait3A_154] : memref<2x3136x96xf32, #tpu.memory_space<hbm>> -> memref<1x1x96xf32, #tpu.memory_space<hbm>>
        %dma_wait3A_156 = tpu.memref_squeeze %dma_wait3A_155 : memref<1x1x96xf32, #tpu.memory_space<hbm>> -> memref<1x96xf32, #tpu.memory_space<hbm>>
        tpu.wait_dma2 semaphore(%arg10 : memref<!tpu.dma_semaphore, #tpu.memory_space<semaphore_mem>>) src(%dma_wait3A_156 : memref<1x96xf32, #tpu.memory_space<hbm>>) dst(%dma_wait3A_153 : memref<1x96xf32, #tpu.memory_space<vmem>>)
      } else {
      }
      %dma_wait3A = arith.constant 0 : i32
      %dma_wait3A_37 = arith.constant 0 : i32
      %dma_wait3A_38 = tpu.memref_slice %arg6[%dma_wait3A, %dma_wait3A_37] : memref<225x96xf32, #tpu.memory_space<vmem>> -> memref<224x96xf32, #tpu.memory_space<vmem>>
      %dma_wait3A_39 = arith.constant 0 : i32
      %dma_wait3A_40 = tpu.memref_slice %arg2[%arg0, %mul3A_2, %dma_wait3A_39] : memref<2x3136x96xf32, #tpu.memory_space<hbm>> -> memref<1x224x96xf32, #tpu.memory_space<hbm>>
      %dma_wait3A_41 = tpu.memref_squeeze %dma_wait3A_40 : memref<1x224x96xf32, #tpu.memory_space<hbm>> -> memref<224x96xf32, #tpu.memory_space<hbm>>
      %dma_wait3A_42 = arith.constant 0 : i32
      %dma_wait3A_43 = arith.constant 0 : i32
      %dma_wait3A_44 = tpu.memref_slice %arg6[%dma_wait3A_42, %dma_wait3A_43] : memref<225x96xf32, #tpu.memory_space<vmem>> -> memref<224x96xf32, #tpu.memory_space<vmem>>
      %dma_wait3A_45 = arith.constant 0 : i32
      %dma_wait3A_46 = tpu.memref_slice %arg2[%arg0, %mul3A_2, %dma_wait3A_45] : memref<2x3136x96xf32, #tpu.memory_space<hbm>> -> memref<1x224x96xf32, #tpu.memory_space<hbm>>
      %dma_wait3A_47 = tpu.memref_squeeze %dma_wait3A_46 : memref<1x224x96xf32, #tpu.memory_space<hbm>> -> memref<224x96xf32, #tpu.memory_space<hbm>>
      tpu.wait_dma2 semaphore(%arg10 : memref<!tpu.dma_semaphore, #tpu.memory_space<semaphore_mem>>) src(%dma_wait3A_47 : memref<224x96xf32, #tpu.memory_space<hbm>>) dst(%dma_wait3A_44 : memref<224x96xf32, #tpu.memory_space<vmem>>)
      %dma_wait3A_48 = arith.constant 0 : i32
      %dma_wait3A_49 = tpu.memref_slice %arg3[%arg0, %mul3A_2, %dma_wait3A_48] : memref<2x3136x96xf32, #tpu.memory_space<hbm>> -> memref<1x224x96xf32, #tpu.memory_space<hbm>>
      %dma_wait3A_50 = tpu.memref_squeeze %dma_wait3A_49 : memref<1x224x96xf32, #tpu.memory_space<hbm>> -> memref<224x96xf32, #tpu.memory_space<hbm>>
      %dma_wait3A_51 = arith.constant 0 : i32
      %dma_wait3A_52 = tpu.memref_slice %arg3[%arg0, %mul3A_2, %dma_wait3A_51] : memref<2x3136x96xf32, #tpu.memory_space<hbm>> -> memref<1x224x96xf32, #tpu.memory_space<hbm>>
      %dma_wait3A_53 = tpu.memref_squeeze %dma_wait3A_52 : memref<1x224x96xf32, #tpu.memory_space<hbm>> -> memref<224x96xf32, #tpu.memory_space<hbm>>
      tpu.wait_dma2 semaphore(%arg10 : memref<!tpu.dma_semaphore, #tpu.memory_space<semaphore_mem>>) src(%dma_wait3A_53 : memref<224x96xf32, #tpu.memory_space<hbm>>) dst(%arg7 : memref<224x96xf32, #tpu.memory_space<vmem>>)
      %dma_wait3A_54 = arith.constant 0 : i32
      %dma_wait3A_55 = arith.constant 0 : i32
      %dma_wait3A_56 = tpu.memref_slice %arg4[%arg0, %arg1, %dma_wait3A_54, %dma_wait3A_55] : memref<2x14x2x96xf32, #tpu.memory_space<hbm>> -> memref<1x1x2x96xf32, #tpu.memory_space<hbm>>
      %dma_wait3A_57 = tpu.memref_squeeze %dma_wait3A_56 : memref<1x1x2x96xf32, #tpu.memory_space<hbm>> -> memref<2x96xf32, #tpu.memory_space<hbm>>
      %dma_wait3A_58 = arith.constant 0 : i32
      %dma_wait3A_59 = arith.constant 0 : i32
      %dma_wait3A_60 = tpu.memref_slice %arg4[%arg0, %arg1, %dma_wait3A_58, %dma_wait3A_59] : memref<2x14x2x96xf32, #tpu.memory_space<hbm>> -> memref<1x1x2x96xf32, #tpu.memory_space<hbm>>
      %dma_wait3A_61 = tpu.memref_squeeze %dma_wait3A_60 : memref<1x1x2x96xf32, #tpu.memory_space<hbm>> -> memref<2x96xf32, #tpu.memory_space<hbm>>
      tpu.wait_dma2 semaphore(%arg10 : memref<!tpu.dma_semaphore, #tpu.memory_space<semaphore_mem>>) src(%dma_wait3A_61 : memref<2x96xf32, #tpu.memory_space<hbm>>) dst(%arg9 : memref<2x96xf32, #tpu.memory_space<vmem>>)
      %get3A = arith.constant 0 : i32
      %get3A_62 = arith.index_cast %get3A : i32 to index
      %get3A_63 = arith.constant 0 : index
      %get3A_64 = tpu.vector_load %arg9[%get3A_62, %get3A_63] {strides = array<i32>} : memref<2x96xf32, #tpu.memory_space<vmem>>, vector<1x16xf32>,
      %get3A_65 = vector.shape_cast %get3A_64 : vector<1x16xf32> to vector<16xf32>
      %get3A_66 = arith.constant 0 : i32
      %get3A_67 = arith.index_cast %get3A_66 : i32 to index
      %get3A_68 = arith.constant 16 : index
      %get3A_69 = tpu.vector_load %arg9[%get3A_67, %get3A_68] {strides = array<i32>} : memref<2x96xf32, #tpu.memory_space<vmem>>, vector<1x16xf32>,
      %get3A_70 = vector.shape_cast %get3A_69 : vector<1x16xf32> to vector<16xf32>
      %get3A_71 = arith.constant 0 : i32
      %get3A_72 = arith.index_cast %get3A_71 : i32 to index
      %get3A_73 = arith.constant 32 : index
      %get3A_74 = tpu.vector_load %arg9[%get3A_72, %get3A_73] {strides = array<i32>} : memref<2x96xf32, #tpu.memory_space<vmem>>, vector<1x16xf32>,
      %get3A_75 = vector.shape_cast %get3A_74 : vector<1x16xf32> to vector<16xf32>
      %get3A_76 = arith.constant 0 : i32
      %get3A_77 = arith.index_cast %get3A_76 : i32 to index
      %get3A_78 = arith.constant 48 : index
      %get3A_79 = tpu.vector_load %arg9[%get3A_77, %get3A_78] {strides = array<i32>} : memref<2x96xf32, #tpu.memory_space<vmem>>, vector<1x16xf32>,
      %get3A_80 = vector.shape_cast %get3A_79 : vector<1x16xf32> to vector<16xf32>
      %get3A_81 = arith.constant 0 : i32
      %get3A_82 = arith.index_cast %get3A_81 : i32 to index
      %get3A_83 = arith.constant 64 : index
      %get3A_84 = tpu.vector_load %arg9[%get3A_82, %get3A_83] {strides = array<i32>} : memref<2x96xf32, #tpu.memory_space<vmem>>, vector<1x16xf32>,
      %get3A_85 = vector.shape_cast %get3A_84 : vector<1x16xf32> to vector<16xf32>
      %get3A_86 = arith.constant 0 : i32
      %get3A_87 = arith.index_cast %get3A_86 : i32 to index
      %get3A_88 = arith.constant 80 : index
      %get3A_89 = tpu.vector_load %arg9[%get3A_87, %get3A_88] {strides = array<i32>} : memref<2x96xf32, #tpu.memory_space<vmem>>, vector<1x16xf32>,
      %get3A_90 = vector.shape_cast %get3A_89 : vector<1x16xf32> to vector<16xf32>
      %scan3A = arith.constant 0 : i32
      %scan3A_91 = arith.constant 224 : i32
      %scan3A_92 = arith.addi %scan3A, %scan3A_91 : i32
      %scan3A_93 = arith.constant 1 : i32
      %scan3A_94:6 = scf.for %scan3A_132 = %scan3A to %scan3A_92 step %scan3A_93 iter_args(%scan3A_133 = %get3A_65, %scan3A_134 = %get3A_70, %scan3A_135 = %get3A_75, %scan3A_136 = %get3A_80, %scan3A_137 = %get3A_85, %scan3A_138 = %get3A_90) -> (vector<16xf32>, vector<16xf32>, vector<16xf32>, vector<16xf32>, vector<16xf32>, vector<16xf32>)  : i32 {
        %get3A_139 = arith.index_cast %scan3A_132 : i32 to index
        %get3A_140 = arith.constant 0 : index
        %get3A_141 = tpu.vector_load %arg6[%get3A_139, %get3A_140] {strides = array<i32>} : memref<225x96xf32, #tpu.memory_space<vmem>>, vector<1x16xf32>,
        %get3A_142 = vector.shape_cast %get3A_141 : vector<1x16xf32> to vector<16xf32>
        %get3A_143 = arith.index_cast %scan3A_132 : i32 to index
        %get3A_144 = arith.constant 0 : index
        %get3A_145 = tpu.vector_load %arg7[%get3A_143, %get3A_144] {strides = array<i32>} : memref<224x96xf32, #tpu.memory_space<vmem>>, vector<1x16xf32>,
        %get3A_146 = vector.shape_cast %get3A_145 : vector<1x16xf32> to vector<16xf32>
        %mul3A_147 = arith.mulf %get3A_142, %scan3A_133 : vector<16xf32>
        %add3A = arith.addf %mul3A_147, %get3A_146 : vector<16xf32>
        %swap3A = arith.index_cast %scan3A_132 : i32 to index
        %swap3A_148 = arith.constant 0 : index
        %swap3A_149 = tpu.vector_load %arg8[%swap3A, %swap3A_148] {strides = array<i32>} : memref<224x96xf32, #tpu.memory_space<vmem>>, vector<1x16xf32>,
        %swap3A_150 = vector.shape_cast %swap3A_149 : vector<1x16xf32> to vector<16xf32>
        %swap3A_151 = vector.shape_cast %add3A : vector<16xf32> to vector<1x16xf32>
        tpu.vector_store %arg8[%swap3A, %swap3A_148], %swap3A_151 {strides = array<i32>} : memref<224x96xf32, #tpu.memory_space<vmem>>, vector<1x16xf32>,
        %get3A_152 = arith.index_cast %scan3A_132 : i32 to index
        %get3A_153 = arith.constant 16 : index
        %get3A_154 = tpu.vector_load %arg6[%get3A_152, %get3A_153] {strides = array<i32>} : memref<225x96xf32, #tpu.memory_space<vmem>>, vector<1x16xf32>,
        %get3A_155 = vector.shape_cast %get3A_154 : vector<1x16xf32> to vector<16xf32>
        %get3A_156 = arith.index_cast %scan3A_132 : i32 to index
        %get3A_157 = arith.constant 16 : index
        %get3A_158 = tpu.vector_load %arg7[%get3A_156, %get3A_157] {strides = array<i32>} : memref<224x96xf32, #tpu.memory_space<vmem>>, vector<1x16xf32>,
        %get3A_159 = vector.shape_cast %get3A_158 : vector<1x16xf32> to vector<16xf32>
        %mul3A_160 = arith.mulf %get3A_155, %scan3A_134 : vector<16xf32>
        %add3A_161 = arith.addf %mul3A_160, %get3A_159 : vector<16xf32>
        %swap3A_162 = arith.index_cast %scan3A_132 : i32 to index
        %swap3A_163 = arith.constant 16 : index
        %swap3A_164 = tpu.vector_load %arg8[%swap3A_162, %swap3A_163] {strides = array<i32>} : memref<224x96xf32, #tpu.memory_space<vmem>>, vector<1x16xf32>,
        %swap3A_165 = vector.shape_cast %swap3A_164 : vector<1x16xf32> to vector<16xf32>
        %swap3A_166 = vector.shape_cast %add3A_161 : vector<16xf32> to vector<1x16xf32>
        tpu.vector_store %arg8[%swap3A_162, %swap3A_163], %swap3A_166 {strides = array<i32>} : memref<224x96xf32, #tpu.memory_space<vmem>>, vector<1x16xf32>,
        %get3A_167 = arith.index_cast %scan3A_132 : i32 to index
        %get3A_168 = arith.constant 32 : index
        %get3A_169 = tpu.vector_load %arg6[%get3A_167, %get3A_168] {strides = array<i32>} : memref<225x96xf32, #tpu.memory_space<vmem>>, vector<1x16xf32>,
        %get3A_170 = vector.shape_cast %get3A_169 : vector<1x16xf32> to vector<16xf32>
        %get3A_171 = arith.index_cast %scan3A_132 : i32 to index
        %get3A_172 = arith.constant 32 : index
        %get3A_173 = tpu.vector_load %arg7[%get3A_171, %get3A_172] {strides = array<i32>} : memref<224x96xf32, #tpu.memory_space<vmem>>, vector<1x16xf32>,
        %get3A_174 = vector.shape_cast %get3A_173 : vector<1x16xf32> to vector<16xf32>
        %mul3A_175 = arith.mulf %get3A_170, %scan3A_135 : vector<16xf32>
        %add3A_176 = arith.addf %mul3A_175, %get3A_174 : vector<16xf32>
        %swap3A_177 = arith.index_cast %scan3A_132 : i32 to index
        %swap3A_178 = arith.constant 32 : index
        %swap3A_179 = tpu.vector_load %arg8[%swap3A_177, %swap3A_178] {strides = array<i32>} : memref<224x96xf32, #tpu.memory_space<vmem>>, vector<1x16xf32>,
        %swap3A_180 = vector.shape_cast %swap3A_179 : vector<1x16xf32> to vector<16xf32>
        %swap3A_181 = vector.shape_cast %add3A_176 : vector<16xf32> to vector<1x16xf32>
        tpu.vector_store %arg8[%swap3A_177, %swap3A_178], %swap3A_181 {strides = array<i32>} : memref<224x96xf32, #tpu.memory_space<vmem>>, vector<1x16xf32>,
        %get3A_182 = arith.index_cast %scan3A_132 : i32 to index
        %get3A_183 = arith.constant 48 : index
        %get3A_184 = tpu.vector_load %arg6[%get3A_182, %get3A_183] {strides = array<i32>} : memref<225x96xf32, #tpu.memory_space<vmem>>, vector<1x16xf32>,
        %get3A_185 = vector.shape_cast %get3A_184 : vector<1x16xf32> to vector<16xf32>
        %get3A_186 = arith.index_cast %scan3A_132 : i32 to index
        %get3A_187 = arith.constant 48 : index
        %get3A_188 = tpu.vector_load %arg7[%get3A_186, %get3A_187] {strides = array<i32>} : memref<224x96xf32, #tpu.memory_space<vmem>>, vector<1x16xf32>,
        %get3A_189 = vector.shape_cast %get3A_188 : vector<1x16xf32> to vector<16xf32>
        %mul3A_190 = arith.mulf %get3A_185, %scan3A_136 : vector<16xf32>
        %add3A_191 = arith.addf %mul3A_190, %get3A_189 : vector<16xf32>
        %swap3A_192 = arith.index_cast %scan3A_132 : i32 to index
        %swap3A_193 = arith.constant 48 : index
        %swap3A_194 = tpu.vector_load %arg8[%swap3A_192, %swap3A_193] {strides = array<i32>} : memref<224x96xf32, #tpu.memory_space<vmem>>, vector<1x16xf32>,
        %swap3A_195 = vector.shape_cast %swap3A_194 : vector<1x16xf32> to vector<16xf32>
        %swap3A_196 = vector.shape_cast %add3A_191 : vector<16xf32> to vector<1x16xf32>
        tpu.vector_store %arg8[%swap3A_192, %swap3A_193], %swap3A_196 {strides = array<i32>} : memref<224x96xf32, #tpu.memory_space<vmem>>, vector<1x16xf32>,
        %get3A_197 = arith.index_cast %scan3A_132 : i32 to index
        %get3A_198 = arith.constant 64 : index
        %get3A_199 = tpu.vector_load %arg6[%get3A_197, %get3A_198] {strides = array<i32>} : memref<225x96xf32, #tpu.memory_space<vmem>>, vector<1x16xf32>,
        %get3A_200 = vector.shape_cast %get3A_199 : vector<1x16xf32> to vector<16xf32>
        %get3A_201 = arith.index_cast %scan3A_132 : i32 to index
        %get3A_202 = arith.constant 64 : index
        %get3A_203 = tpu.vector_load %arg7[%get3A_201, %get3A_202] {strides = array<i32>} : memref<224x96xf32, #tpu.memory_space<vmem>>, vector<1x16xf32>,
        %get3A_204 = vector.shape_cast %get3A_203 : vector<1x16xf32> to vector<16xf32>
        %mul3A_205 = arith.mulf %get3A_200, %scan3A_137 : vector<16xf32>
        %add3A_206 = arith.addf %mul3A_205, %get3A_204 : vector<16xf32>
        %swap3A_207 = arith.index_cast %scan3A_132 : i32 to index
        %swap3A_208 = arith.constant 64 : index
        %swap3A_209 = tpu.vector_load %arg8[%swap3A_207, %swap3A_208] {strides = array<i32>} : memref<224x96xf32, #tpu.memory_space<vmem>>, vector<1x16xf32>,
        %swap3A_210 = vector.shape_cast %swap3A_209 : vector<1x16xf32> to vector<16xf32>
        %swap3A_211 = vector.shape_cast %add3A_206 : vector<16xf32> to vector<1x16xf32>
        tpu.vector_store %arg8[%swap3A_207, %swap3A_208], %swap3A_211 {strides = array<i32>} : memref<224x96xf32, #tpu.memory_space<vmem>>, vector<1x16xf32>,
        %get3A_212 = arith.index_cast %scan3A_132 : i32 to index
        %get3A_213 = arith.constant 80 : index
        %get3A_214 = tpu.vector_load %arg6[%get3A_212, %get3A_213] {strides = array<i32>} : memref<225x96xf32, #tpu.memory_space<vmem>>, vector<1x16xf32>,
        %get3A_215 = vector.shape_cast %get3A_214 : vector<1x16xf32> to vector<16xf32>
        %get3A_216 = arith.index_cast %scan3A_132 : i32 to index
        %get3A_217 = arith.constant 80 : index
        %get3A_218 = tpu.vector_load %arg7[%get3A_216, %get3A_217] {strides = array<i32>} : memref<224x96xf32, #tpu.memory_space<vmem>>, vector<1x16xf32>,
        %get3A_219 = vector.shape_cast %get3A_218 : vector<1x16xf32> to vector<16xf32>
        %mul3A_220 = arith.mulf %get3A_215, %scan3A_138 : vector<16xf32>
        %add3A_221 = arith.addf %mul3A_220, %get3A_219 : vector<16xf32>
        %swap3A_222 = arith.index_cast %scan3A_132 : i32 to index
        %swap3A_223 = arith.constant 80 : index
        %swap3A_224 = tpu.vector_load %arg8[%swap3A_222, %swap3A_223] {strides = array<i32>} : memref<224x96xf32, #tpu.memory_space<vmem>>, vector<1x16xf32>,
        %swap3A_225 = vector.shape_cast %swap3A_224 : vector<1x16xf32> to vector<16xf32>
        %swap3A_226 = vector.shape_cast %add3A_221 : vector<16xf32> to vector<1x16xf32>
        tpu.vector_store %arg8[%swap3A_222, %swap3A_223], %swap3A_226 {strides = array<i32>} : memref<224x96xf32, #tpu.memory_space<vmem>>, vector<1x16xf32>,
        scf.yield %add3A, %add3A_161, %add3A_176, %add3A_191, %add3A_206, %add3A_221 : vector<16xf32>, vector<16xf32>, vector<16xf32>, vector<16xf32>, vector<16xf32>, vector<16xf32>
      }
      %scan3A_95 = arith.constant 224 : i32
      %get3A_96 = arith.constant 1 : i32
      %get3A_97 = arith.index_cast %get3A_96 : i32 to index
      %get3A_98 = arith.constant 0 : index
      %get3A_99 = tpu.vector_load %arg9[%get3A_97, %get3A_98] {strides = array<i32>} : memref<2x96xf32, #tpu.memory_space<vmem>>, vector<1x16xf32>,
      %get3A_100 = vector.shape_cast %get3A_99 : vector<1x16xf32> to vector<16xf32>
      %get3A_101 = arith.constant 1 : i32
      %get3A_102 = arith.index_cast %get3A_101 : i32 to index
      %get3A_103 = arith.constant 16 : index
      %get3A_104 = tpu.vector_load %arg9[%get3A_102, %get3A_103] {strides = array<i32>} : memref<2x96xf32, #tpu.memory_space<vmem>>, vector<1x16xf32>,
      %get3A_105 = vector.shape_cast %get3A_104 : vector<1x16xf32> to vector<16xf32>
      %get3A_106 = arith.constant 1 : i32
      %get3A_107 = arith.index_cast %get3A_106 : i32 to index
      %get3A_108 = arith.constant 32 : index
      %get3A_109 = tpu.vector_load %arg9[%get3A_107, %get3A_108] {strides = array<i32>} : memref<2x96xf32, #tpu.memory_space<vmem>>, vector<1x16xf32>,
      %get3A_110 = vector.shape_cast %get3A_109 : vector<1x16xf32> to vector<16xf32>
      %get3A_111 = arith.constant 1 : i32
      %get3A_112 = arith.index_cast %get3A_111 : i32 to index
      %get3A_113 = arith.constant 48 : index
      %get3A_114 = tpu.vector_load %arg9[%get3A_112, %get3A_113] {strides = array<i32>} : memref<2x96xf32, #tpu.memory_space<vmem>>, vector<1x16xf32>,
      %get3A_115 = vector.shape_cast %get3A_114 : vector<1x16xf32> to vector<16xf32>
      %get3A_116 = arith.constant 1 : i32
      %get3A_117 = arith.index_cast %get3A_116 : i32 to index
      %get3A_118 = arith.constant 64 : index
      %get3A_119 = tpu.vector_load %arg9[%get3A_117, %get3A_118] {strides = array<i32>} : memref<2x96xf32, #tpu.memory_space<vmem>>, vector<1x16xf32>,
      %get3A_120 = vector.shape_cast %get3A_119 : vector<1x16xf32> to vector<16xf32>
      %get3A_121 = arith.constant 1 : i32
      %get3A_122 = arith.index_cast %get3A_121 : i32 to index
      %get3A_123 = arith.constant 80 : index
      %get3A_124 = tpu.vector_load %arg9[%get3A_122, %get3A_123] {strides = array<i32>} : memref<2x96xf32, #tpu.memory_space<vmem>>, vector<1x16xf32>,
      %get3A_125 = vector.shape_cast %get3A_124 : vector<1x16xf32> to vector<16xf32>
      %scan3A_126 = arith.constant 0 : i32
      %scan3A_127 = arith.constant 224 : i32
      %scan3A_128 = arith.addi %scan3A_126, %scan3A_127 : i32
      %scan3A_129 = arith.constant 1 : i32
      %scan3A_130:6 = scf.for %scan3A_132 = %scan3A_126 to %scan3A_128 step %scan3A_129 iter_args(%scan3A_133 = %get3A_100, %scan3A_134 = %get3A_105, %scan3A_135 = %get3A_110, %scan3A_136 = %get3A_115, %scan3A_137 = %get3A_120, %scan3A_138 = %get3A_125) -> (vector<16xf32>, vector<16xf32>, vector<16xf32>, vector<16xf32>, vector<16xf32>, vector<16xf32>)  : i32 {
        %sub3A = arith.constant 223 : i32
        %sub3A_139 = arith.subi %sub3A, %scan3A_132 : i32
        %add3A = arith.constant 1 : i32
        %add3A_140 = arith.addi %sub3A_139, %add3A : i32
        %get3A_141 = arith.index_cast %add3A_140 : i32 to index
        %get3A_142 = arith.constant 0 : index
        %get3A_143 = tpu.vector_load %arg6[%get3A_141, %get3A_142] {strides = array<i32>} : memref<225x96xf32, #tpu.memory_space<vmem>>, vector<1x16xf32>,
        %get3A_144 = vector.shape_cast %get3A_143 : vector<1x16xf32> to vector<16xf32>
        %get3A_145 = arith.index_cast %sub3A_139 : i32 to index
        %get3A_146 = arith.constant 0 : index
        %get3A_147 = tpu.vector_load %arg7[%get3A_145, %get3A_146] {strides = array<i32>} : memref<224x96xf32, #tpu.memory_space<vmem>>, vector<1x16xf32>,
        %get3A_148 = vector.shape_cast %get3A_147 : vector<1x16xf32> to vector<16xf32>
        %mul3A_149 = arith.mulf %get3A_144, %scan3A_133 : vector<16xf32>
        %add3A_150 = arith.addf %mul3A_149, %get3A_148 : vector<16xf32>
        %get3A_151 = arith.index_cast %sub3A_139 : i32 to index
        %get3A_152 = arith.constant 0 : index
        %get3A_153 = tpu.vector_load %arg8[%get3A_151, %get3A_152] {strides = array<i32>} : memref<224x96xf32, #tpu.memory_space<vmem>>, vector<1x16xf32>,
        %get3A_154 = vector.shape_cast %get3A_153 : vector<1x16xf32> to vector<16xf32>
        %add3A_155 = arith.addf %get3A_154, %add3A_150 : vector<16xf32>
        %sub3A_156 = arith.subf %add3A_155, %get3A_148 : vector<16xf32>
        %swap3A = arith.index_cast %sub3A_139 : i32 to index
        %swap3A_157 = arith.constant 0 : index
        %swap3A_158 = tpu.vector_load %arg8[%swap3A, %swap3A_157] {strides = array<i32>} : memref<224x96xf32, #tpu.memory_space<vmem>>, vector<1x16xf32>,
        %swap3A_159 = vector.shape_cast %swap3A_158 : vector<1x16xf32> to vector<16xf32>
        %swap3A_160 = vector.shape_cast %sub3A_156 : vector<16xf32> to vector<1x16xf32>
        tpu.vector_store %arg8[%swap3A, %swap3A_157], %swap3A_160 {strides = array<i32>} : memref<224x96xf32, #tpu.memory_space<vmem>>, vector<1x16xf32>,
        %add3A_161 = arith.constant 1 : i32
        %add3A_162 = arith.addi %sub3A_139, %add3A_161 : i32
        %get3A_163 = arith.index_cast %add3A_162 : i32 to index
        %get3A_164 = arith.constant 16 : index
        %get3A_165 = tpu.vector_load %arg6[%get3A_163, %get3A_164] {strides = array<i32>} : memref<225x96xf32, #tpu.memory_space<vmem>>, vector<1x16xf32>,
        %get3A_166 = vector.shape_cast %get3A_165 : vector<1x16xf32> to vector<16xf32>
        %get3A_167 = arith.index_cast %sub3A_139 : i32 to index
        %get3A_168 = arith.constant 16 : index
        %get3A_169 = tpu.vector_load %arg7[%get3A_167, %get3A_168] {strides = array<i32>} : memref<224x96xf32, #tpu.memory_space<vmem>>, vector<1x16xf32>,
        %get3A_170 = vector.shape_cast %get3A_169 : vector<1x16xf32> to vector<16xf32>
        %mul3A_171 = arith.mulf %get3A_166, %scan3A_134 : vector<16xf32>
        %add3A_172 = arith.addf %mul3A_171, %get3A_170 : vector<16xf32>
        %get3A_173 = arith.index_cast %sub3A_139 : i32 to index
        %get3A_174 = arith.constant 16 : index
        %get3A_175 = tpu.vector_load %arg8[%get3A_173, %get3A_174] {strides = array<i32>} : memref<224x96xf32, #tpu.memory_space<vmem>>, vector<1x16xf32>,
        %get3A_176 = vector.shape_cast %get3A_175 : vector<1x16xf32> to vector<16xf32>
        %add3A_177 = arith.addf %get3A_176, %add3A_172 : vector<16xf32>
        %sub3A_178 = arith.subf %add3A_177, %get3A_170 : vector<16xf32>
        %swap3A_179 = arith.index_cast %sub3A_139 : i32 to index
        %swap3A_180 = arith.constant 16 : index
        %swap3A_181 = tpu.vector_load %arg8[%swap3A_179, %swap3A_180] {strides = array<i32>} : memref<224x96xf32, #tpu.memory_space<vmem>>, vector<1x16xf32>,
        %swap3A_182 = vector.shape_cast %swap3A_181 : vector<1x16xf32> to vector<16xf32>
        %swap3A_183 = vector.shape_cast %sub3A_178 : vector<16xf32> to vector<1x16xf32>
        tpu.vector_store %arg8[%swap3A_179, %swap3A_180], %swap3A_183 {strides = array<i32>} : memref<224x96xf32, #tpu.memory_space<vmem>>, vector<1x16xf32>,
        %add3A_184 = arith.constant 1 : i32
        %add3A_185 = arith.addi %sub3A_139, %add3A_184 : i32
        %get3A_186 = arith.index_cast %add3A_185 : i32 to index
        %get3A_187 = arith.constant 32 : index
        %get3A_188 = tpu.vector_load %arg6[%get3A_186, %get3A_187] {strides = array<i32>} : memref<225x96xf32, #tpu.memory_space<vmem>>, vector<1x16xf32>,
        %get3A_189 = vector.shape_cast %get3A_188 : vector<1x16xf32> to vector<16xf32>
        %get3A_190 = arith.index_cast %sub3A_139 : i32 to index
        %get3A_191 = arith.constant 32 : index
        %get3A_192 = tpu.vector_load %arg7[%get3A_190, %get3A_191] {strides = array<i32>} : memref<224x96xf32, #tpu.memory_space<vmem>>, vector<1x16xf32>,
        %get3A_193 = vector.shape_cast %get3A_192 : vector<1x16xf32> to vector<16xf32>
        %mul3A_194 = arith.mulf %get3A_189, %scan3A_135 : vector<16xf32>
        %add3A_195 = arith.addf %mul3A_194, %get3A_193 : vector<16xf32>
        %get3A_196 = arith.index_cast %sub3A_139 : i32 to index
        %get3A_197 = arith.constant 32 : index
        %get3A_198 = tpu.vector_load %arg8[%get3A_196, %get3A_197] {strides = array<i32>} : memref<224x96xf32, #tpu.memory_space<vmem>>, vector<1x16xf32>,
        %get3A_199 = vector.shape_cast %get3A_198 : vector<1x16xf32> to vector<16xf32>
        %add3A_200 = arith.addf %get3A_199, %add3A_195 : vector<16xf32>
        %sub3A_201 = arith.subf %add3A_200, %get3A_193 : vector<16xf32>
        %swap3A_202 = arith.index_cast %sub3A_139 : i32 to index
        %swap3A_203 = arith.constant 32 : index
        %swap3A_204 = tpu.vector_load %arg8[%swap3A_202, %swap3A_203] {strides = array<i32>} : memref<224x96xf32, #tpu.memory_space<vmem>>, vector<1x16xf32>,
        %swap3A_205 = vector.shape_cast %swap3A_204 : vector<1x16xf32> to vector<16xf32>
        %swap3A_206 = vector.shape_cast %sub3A_201 : vector<16xf32> to vector<1x16xf32>
        tpu.vector_store %arg8[%swap3A_202, %swap3A_203], %swap3A_206 {strides = array<i32>} : memref<224x96xf32, #tpu.memory_space<vmem>>, vector<1x16xf32>,
        %add3A_207 = arith.constant 1 : i32
        %add3A_208 = arith.addi %sub3A_139, %add3A_207 : i32
        %get3A_209 = arith.index_cast %add3A_208 : i32 to index
        %get3A_210 = arith.constant 48 : index
        %get3A_211 = tpu.vector_load %arg6[%get3A_209, %get3A_210] {strides = array<i32>} : memref<225x96xf32, #tpu.memory_space<vmem>>, vector<1x16xf32>,
        %get3A_212 = vector.shape_cast %get3A_211 : vector<1x16xf32> to vector<16xf32>
        %get3A_213 = arith.index_cast %sub3A_139 : i32 to index
        %get3A_214 = arith.constant 48 : index
        %get3A_215 = tpu.vector_load %arg7[%get3A_213, %get3A_214] {strides = array<i32>} : memref<224x96xf32, #tpu.memory_space<vmem>>, vector<1x16xf32>,
        %get3A_216 = vector.shape_cast %get3A_215 : vector<1x16xf32> to vector<16xf32>
        %mul3A_217 = arith.mulf %get3A_212, %scan3A_136 : vector<16xf32>
        %add3A_218 = arith.addf %mul3A_217, %get3A_216 : vector<16xf32>
        %get3A_219 = arith.index_cast %sub3A_139 : i32 to index
        %get3A_220 = arith.constant 48 : index
        %get3A_221 = tpu.vector_load %arg8[%get3A_219, %get3A_220] {strides = array<i32>} : memref<224x96xf32, #tpu.memory_space<vmem>>, vector<1x16xf32>,
        %get3A_222 = vector.shape_cast %get3A_221 : vector<1x16xf32> to vector<16xf32>
        %add3A_223 = arith.addf %get3A_222, %add3A_218 : vector<16xf32>
        %sub3A_224 = arith.subf %add3A_223, %get3A_216 : vector<16xf32>
        %swap3A_225 = arith.index_cast %sub3A_139 : i32 to index
        %swap3A_226 = arith.constant 48 : index
        %swap3A_227 = tpu.vector_load %arg8[%swap3A_225, %swap3A_226] {strides = array<i32>} : memref<224x96xf32, #tpu.memory_space<vmem>>, vector<1x16xf32>,
        %swap3A_228 = vector.shape_cast %swap3A_227 : vector<1x16xf32> to vector<16xf32>
        %swap3A_229 = vector.shape_cast %sub3A_224 : vector<16xf32> to vector<1x16xf32>
        tpu.vector_store %arg8[%swap3A_225, %swap3A_226], %swap3A_229 {strides = array<i32>} : memref<224x96xf32, #tpu.memory_space<vmem>>, vector<1x16xf32>,
        %add3A_230 = arith.constant 1 : i32
        %add3A_231 = arith.addi %sub3A_139, %add3A_230 : i32
        %get3A_232 = arith.index_cast %add3A_231 : i32 to index
        %get3A_233 = arith.constant 64 : index
        %get3A_234 = tpu.vector_load %arg6[%get3A_232, %get3A_233] {strides = array<i32>} : memref<225x96xf32, #tpu.memory_space<vmem>>, vector<1x16xf32>,
        %get3A_235 = vector.shape_cast %get3A_234 : vector<1x16xf32> to vector<16xf32>
        %get3A_236 = arith.index_cast %sub3A_139 : i32 to index
        %get3A_237 = arith.constant 64 : index
        %get3A_238 = tpu.vector_load %arg7[%get3A_236, %get3A_237] {strides = array<i32>} : memref<224x96xf32, #tpu.memory_space<vmem>>, vector<1x16xf32>,
        %get3A_239 = vector.shape_cast %get3A_238 : vector<1x16xf32> to vector<16xf32>
        %mul3A_240 = arith.mulf %get3A_235, %scan3A_137 : vector<16xf32>
        %add3A_241 = arith.addf %mul3A_240, %get3A_239 : vector<16xf32>
        %get3A_242 = arith.index_cast %sub3A_139 : i32 to index
        %get3A_243 = arith.constant 64 : index
        %get3A_244 = tpu.vector_load %arg8[%get3A_242, %get3A_243] {strides = array<i32>} : memref<224x96xf32, #tpu.memory_space<vmem>>, vector<1x16xf32>,
        %get3A_245 = vector.shape_cast %get3A_244 : vector<1x16xf32> to vector<16xf32>
        %add3A_246 = arith.addf %get3A_245, %add3A_241 : vector<16xf32>
        %sub3A_247 = arith.subf %add3A_246, %get3A_239 : vector<16xf32>
        %swap3A_248 = arith.index_cast %sub3A_139 : i32 to index
        %swap3A_249 = arith.constant 64 : index
        %swap3A_250 = tpu.vector_load %arg8[%swap3A_248, %swap3A_249] {strides = array<i32>} : memref<224x96xf32, #tpu.memory_space<vmem>>, vector<1x16xf32>,
        %swap3A_251 = vector.shape_cast %swap3A_250 : vector<1x16xf32> to vector<16xf32>
        %swap3A_252 = vector.shape_cast %sub3A_247 : vector<16xf32> to vector<1x16xf32>
        tpu.vector_store %arg8[%swap3A_248, %swap3A_249], %swap3A_252 {strides = array<i32>} : memref<224x96xf32, #tpu.memory_space<vmem>>, vector<1x16xf32>,
        %add3A_253 = arith.constant 1 : i32
        %add3A_254 = arith.addi %sub3A_139, %add3A_253 : i32
        %get3A_255 = arith.index_cast %add3A_254 : i32 to index
        %get3A_256 = arith.constant 80 : index
        %get3A_257 = tpu.vector_load %arg6[%get3A_255, %get3A_256] {strides = array<i32>} : memref<225x96xf32, #tpu.memory_space<vmem>>, vector<1x16xf32>,
        %get3A_258 = vector.shape_cast %get3A_257 : vector<1x16xf32> to vector<16xf32>
        %get3A_259 = arith.index_cast %sub3A_139 : i32 to index
        %get3A_260 = arith.constant 80 : index
        %get3A_261 = tpu.vector_load %arg7[%get3A_259, %get3A_260] {strides = array<i32>} : memref<224x96xf32, #tpu.memory_space<vmem>>, vector<1x16xf32>,
        %get3A_262 = vector.shape_cast %get3A_261 : vector<1x16xf32> to vector<16xf32>
        %mul3A_263 = arith.mulf %get3A_258, %scan3A_138 : vector<16xf32>
        %add3A_264 = arith.addf %mul3A_263, %get3A_262 : vector<16xf32>
        %get3A_265 = arith.index_cast %sub3A_139 : i32 to index
        %get3A_266 = arith.constant 80 : index
        %get3A_267 = tpu.vector_load %arg8[%get3A_265, %get3A_266] {strides = array<i32>} : memref<224x96xf32, #tpu.memory_space<vmem>>, vector<1x16xf32>,
        %get3A_268 = vector.shape_cast %get3A_267 : vector<1x16xf32> to vector<16xf32>
        %add3A_269 = arith.addf %get3A_268, %add3A_264 : vector<16xf32>
        %sub3A_270 = arith.subf %add3A_269, %get3A_262 : vector<16xf32>
        %swap3A_271 = arith.index_cast %sub3A_139 : i32 to index
        %swap3A_272 = arith.constant 80 : index
        %swap3A_273 = tpu.vector_load %arg8[%swap3A_271, %swap3A_272] {strides = array<i32>} : memref<224x96xf32, #tpu.memory_space<vmem>>, vector<1x16xf32>,
        %swap3A_274 = vector.shape_cast %swap3A_273 : vector<1x16xf32> to vector<16xf32>
        %swap3A_275 = vector.shape_cast %sub3A_270 : vector<16xf32> to vector<1x16xf32>
        tpu.vector_store %arg8[%swap3A_271, %swap3A_272], %swap3A_275 {strides = array<i32>} : memref<224x96xf32, #tpu.memory_space<vmem>>, vector<1x16xf32>,
        scf.yield %add3A_150, %add3A_172, %add3A_195, %add3A_218, %add3A_241, %add3A_264 : vector<16xf32>, vector<16xf32>, vector<16xf32>, vector<16xf32>, vector<16xf32>, vector<16xf32>
      }
      %scan3A_131 = arith.constant 224 : i32
      "tpu.region"() ({
        %run_scoped3A = tpu.sem_alloc : memref<!tpu.dma_semaphore, #tpu.memory_space<semaphore_mem>>
        %dma_start3A_132 = arith.constant 0 : i32
        %dma_start3A_133 = tpu.memref_slice %arg5[%arg0, %mul3A_2, %dma_start3A_132] : memref<2x3136x96xf32, #tpu.memory_space<hbm>> -> memref<1x224x96xf32, #tpu.memory_space<hbm>>
        %dma_start3A_134 = tpu.memref_squeeze %dma_start3A_133 : memref<1x224x96xf32, #tpu.memory_space<hbm>> -> memref<224x96xf32, #tpu.memory_space<hbm>>
        %dma_start3A_135 = arith.constant 0 : i32
        %dma_start3A_136 = tpu.memref_slice %arg5[%arg0, %mul3A_2, %dma_start3A_135] : memref<2x3136x96xf32, #tpu.memory_space<hbm>> -> memref<1x224x96xf32, #tpu.memory_space<hbm>>
        %dma_start3A_137 = tpu.memref_squeeze %dma_start3A_136 : memref<1x224x96xf32, #tpu.memory_space<hbm>> -> memref<224x96xf32, #tpu.memory_space<hbm>>
        tpu.enqueue_dma source(%arg8 : memref<224x96xf32, #tpu.memory_space<vmem>>) target(%dma_start3A_137 : memref<224x96xf32, #tpu.memory_space<hbm>>) target_semaphore(%run_scoped3A : memref<!tpu.dma_semaphore, #tpu.memory_space<semaphore_mem>>)
        %dma_wait3A_138 = arith.constant 0 : i32
        %dma_wait3A_139 = tpu.memref_slice %arg5[%arg0, %mul3A_2, %dma_wait3A_138] : memref<2x3136x96xf32, #tpu.memory_space<hbm>> -> memref<1x224x96xf32, #tpu.memory_space<hbm>>
        %dma_wait3A_140 = tpu.memref_squeeze %dma_wait3A_139 : memref<1x224x96xf32, #tpu.memory_space<hbm>> -> memref<224x96xf32, #tpu.memory_space<hbm>>
        %dma_wait3A_141 = arith.constant 0 : i32
        %dma_wait3A_142 = tpu.memref_slice %arg5[%arg0, %mul3A_2, %dma_wait3A_141] : memref<2x3136x96xf32, #tpu.memory_space<hbm>> -> memref<1x224x96xf32, #tpu.memory_space<hbm>>
        %dma_wait3A_143 = tpu.memref_squeeze %dma_wait3A_142 : memref<1x224x96xf32, #tpu.memory_space<hbm>> -> memref<224x96xf32, #tpu.memory_space<hbm>>
        tpu.wait_dma2 semaphore(%run_scoped3A : memref<!tpu.dma_semaphore, #tpu.memory_space<semaphore_mem>>) src(%arg8 : memref<224x96xf32, #tpu.memory_space<vmem>>) dst(%dma_wait3A_143 : memref<224x96xf32, #tpu.memory_space<hbm>>)
        tpu.yield
      }) : () -> ()
    } else {
    }
    return
  }
}

module attributes {stable_mosaic.version = 14 : i64} {
  func.func @_gate_kernel(%arg0: i32, %arg1: memref<1x3136x96xf32, #tpu.memory_space<vmem>>, %arg2: memref<8x96xf32, #tpu.memory_space<vmem>>, %arg3: memref<96x6xf32, #tpu.memory_space<vmem>>, %arg4: memref<1x96xf32, #tpu.memory_space<vmem>>, %arg5: memref<1x96xf32, #tpu.memory_space<vmem>>, %arg6: memref<1x3136x96xf32, #tpu.memory_space<vmem>>, %arg7: memref<1x3136x96xf32, #tpu.memory_space<vmem>>, %arg8: memref<1x14x2x96xf32, #tpu.memory_space<vmem>>) attributes {dimension_semantics = [#tpu.dimension_semantics<arbitrary>], iteration_bounds = array<i64: 2>, scalar_prefetch = 0 : i64, scratch_operands = 0 : i64, tpu.core_type = #tpu.core_type<tc>, window_params = [{transform_indices = @transform_0, window_bounds = array<i64: 1, 3136, 96>}, {pipeline_mode = #tpu.pipeline_mode<synchronous>, transform_indices = @transform_1, window_bounds = array<i64: 8, 96>}, {pipeline_mode = #tpu.pipeline_mode<synchronous>, transform_indices = @transform_2, window_bounds = array<i64: 96, 6>}, {pipeline_mode = #tpu.pipeline_mode<synchronous>, transform_indices = @transform_3, window_bounds = array<i64: 1, 96>}, {pipeline_mode = #tpu.pipeline_mode<synchronous>, transform_indices = @transform_4, window_bounds = array<i64: 1, 96>}, {transform_indices = @transform_5, window_bounds = array<i64: 1, 3136, 96>}, {transform_indices = @transform_6, window_bounds = array<i64: 1, 3136, 96>}, {transform_indices = @transform_7, window_bounds = array<i64: 1, 14, 2, 96>}]} {
    %get3A = arith.constant 0 : index
    %get3A_0 = arith.constant 0 : index
    %get3A_1 = arith.constant 0 : index
    %get3A_2 = vector.load %arg1[%get3A, %get3A_0, %get3A_1] : memref<1x3136x96xf32, #tpu.memory_space<vmem>>, vector<1x3136x96xf32>
    %get3A_3 = vector.shape_cast %get3A_2 : vector<1x3136x96xf32> to vector<3136x96xf32>
    %get3A_4 = arith.constant 0 : index
    %get3A_5 = arith.constant 0 : index
    %get3A_6 = vector.load %arg2[%get3A_4, %get3A_5] : memref<8x96xf32, #tpu.memory_space<vmem>>, vector<8x96xf32>
    %get3A_7 = arith.constant 0 : index
    %get3A_8 = arith.constant 0 : index
    %get3A_9 = vector.load %arg3[%get3A_7, %get3A_8] : memref<96x6xf32, #tpu.memory_space<vmem>>, vector<96x6xf32>
    %dot_general3A = arith.constant dense<0.000000e+00> : vector<3136x8xf32>
    %dot_general3A_10 = tpu.matmul %get3A_3, %get3A_6, %dot_general3A {dimension_numbers = #tpu.dot_dimension_numbers<[1], [1], [0], [0], [0, 0, 1, 0], [], []>, transpose_lhs_hint = false} : vector<3136x96xf32>, vector<8x96xf32>, vector<3136x8xf32> -> vector<3136x8xf32>
    %slice3A = vector.extract_strided_slice %dot_general3A_10 {offsets = [0, 0], sizes = [3136, 6], strides = [1, 1]} : vector<3136x8xf32> to vector<3136x6xf32>
    %dot_general3A_11 = arith.constant dense<0.000000e+00> : vector<3136x96xf32>
    %dot_general3A_12 = tpu.matmul %slice3A, %get3A_9, %dot_general3A_11 {dimension_numbers = #tpu.dot_dimension_numbers<[1], [1], [0], [0], [0, 0, 1, 0], [], []>, transpose_lhs_hint = false} : vector<3136x6xf32>, vector<96x6xf32>, vector<3136x96xf32> -> vector<3136x96xf32>
    %get3A_13 = arith.constant 0 : index
    %get3A_14 = arith.constant 0 : index
    %get3A_15 = vector.load %arg4[%get3A_13, %get3A_14] : memref<1x96xf32, #tpu.memory_space<vmem>>, vector<1x96xf32>
    %add3A = vector.broadcast %get3A_15 : vector<1x96xf32> to vector<3136x96xf32>
    %add3A_16 = arith.addf %dot_general3A_12, %add3A : vector<3136x96xf32>
    %custom_jvp_call3A = arith.constant 0.000000e+00 : f32
    %max3A = vector.broadcast %custom_jvp_call3A : f32 to vector<3136x96xf32>
    %max3A_17 = arith.maximumf %add3A_16, %max3A : vector<3136x96xf32>
    %sub3A = vector.broadcast %custom_jvp_call3A : f32 to vector<3136x96xf32>
    %sub3A_18 = arith.subf %add3A_16, %sub3A : vector<3136x96xf32>
    %ne3A = arith.cmpf one, %sub3A_18, %sub3A_18 : vector<3136x96xf32>
    %add3A_19 = vector.broadcast %custom_jvp_call3A : f32 to vector<3136x96xf32>
    %add3A_20 = arith.addf %add3A_16, %add3A_19 : vector<3136x96xf32>
    %abs3A = math.absf %sub3A_18 : vector<3136x96xf32>
    %neg3A = arith.constant 0.000000e+00 : f32
    %neg3A_21 = vector.broadcast %neg3A : f32 to vector<3136x96xf32>
    %neg3A_22 = arith.subf %neg3A_21, %abs3A : vector<3136x96xf32>
    %exp3A = math.exp %neg3A_22 : vector<3136x96xf32>
    %log1p3A = math.log1p %exp3A : vector<3136x96xf32>
    %add3A_23 = arith.addf %max3A_17, %log1p3A : vector<3136x96xf32>
    %select_n3A = arith.select %ne3A, %add3A_20, %add3A_23 : vector<3136x96xi1>, vector<3136x96xf32>
    %get3A_24 = arith.constant 0 : index
    %get3A_25 = arith.constant 0 : index
    %get3A_26 = vector.load %arg5[%get3A_24, %get3A_25] : memref<1x96xf32, #tpu.memory_space<vmem>>, vector<1x96xf32>
    %exp3A_27 = math.exp %get3A_26 : vector<1x96xf32>
    %neg3A_28 = arith.constant 0.000000e+00 : f32
    %neg3A_29 = vector.broadcast %neg3A_28 : f32 to vector<1x96xf32>
    %neg3A_30 = arith.subf %neg3A_29, %exp3A_27 : vector<1x96xf32>
    %mul3A = vector.broadcast %neg3A_30 : vector<1x96xf32> to vector<3136x96xf32>
    %mul3A_31 = arith.mulf %select_n3A, %mul3A : vector<3136x96xf32>
    %exp3A_32 = math.exp %mul3A_31 : vector<3136x96xf32>
    %slice3A_33 = vector.extract_strided_slice %dot_general3A_10 {offsets = [0, 6], sizes = [3136, 1], strides = [1, 1]} : vector<3136x8xf32> to vector<3136x1xf32>
    %mul3A_34 = vector.broadcast %slice3A_33 : vector<3136x1xf32> to vector<3136x96xf32>
    %mul3A_35 = arith.mulf %select_n3A, %mul3A_34 : vector<3136x96xf32>
    %mul3A_36 = arith.mulf %mul3A_35, %get3A_3 : vector<3136x96xf32>
    %swap3A = arith.constant 0 : index
    %swap3A_37 = arith.constant 0 : index
    %swap3A_38 = arith.constant 0 : index
    %swap3A_39 = vector.load %arg6[%swap3A, %swap3A_37, %swap3A_38] : memref<1x3136x96xf32, #tpu.memory_space<vmem>>, vector<1x3136x96xf32>
    %swap3A_40 = vector.shape_cast %swap3A_39 : vector<1x3136x96xf32> to vector<3136x96xf32>
    %swap3A_41 = vector.shape_cast %exp3A_32 : vector<3136x96xf32> to vector<1x3136x96xf32>
    tpu.vector_store %arg6[%swap3A, %swap3A_37, %swap3A_38], %swap3A_41 {strides = array<i32>} : memref<1x3136x96xf32, #tpu.memory_space<vmem>>, vector<1x3136x96xf32>,
    %swap3A_42 = arith.constant 0 : index
    %swap3A_43 = arith.constant 0 : index
    %swap3A_44 = arith.constant 0 : index
    %swap3A_45 = vector.load %arg7[%swap3A_42, %swap3A_43, %swap3A_44] : memref<1x3136x96xf32, #tpu.memory_space<vmem>>, vector<1x3136x96xf32>
    %swap3A_46 = vector.shape_cast %swap3A_45 : vector<1x3136x96xf32> to vector<3136x96xf32>
    %swap3A_47 = vector.shape_cast %mul3A_36 : vector<3136x96xf32> to vector<1x3136x96xf32>
    tpu.vector_store %arg7[%swap3A_42, %swap3A_43, %swap3A_44], %swap3A_47 {strides = array<i32>} : memref<1x3136x96xf32, #tpu.memory_space<vmem>>, vector<1x3136x96xf32>,
    %broadcast_in_dim3A = arith.constant 0.000000e+00 : f32
    %broadcast_in_dim3A_48 = vector.broadcast %broadcast_in_dim3A : f32 to vector<1x96xf32>
    %slice3A_49 = vector.extract_strided_slice %exp3A_32 {offsets = [1, 0], sizes = [3135, 96], strides = [1, 1]} : vector<3136x96xf32> to vector<3135x96xf32>
    %concatenate3A = tpu.concatenate %slice3A_49, %broadcast_in_dim3A_48 in 0 : vector<3135x96xf32>, vector<1x96xf32> -> vector<3136x96xf32>
    %reshape3A = vector.shape_cast %exp3A_32 : vector<3136x96xf32> to vector<14x224x96xf32>
    %reshape3A_50 = vector.shape_cast %concatenate3A : vector<3136x96xf32> to vector<14x224x96xf32>
    %reshape3A_51 = vector.shape_cast %mul3A_36 : vector<3136x96xf32> to vector<14x224x96xf32>
    %broadcast_in_dim3A_52 = arith.constant 1.000000e+00 : f32
    %broadcast_in_dim3A_53 = vector.broadcast %broadcast_in_dim3A_52 : f32 to vector<14x1x96xf32>
    %slice3A_54 = vector.extract_strided_slice %reshape3A {offsets = [0, 1, 0], sizes = [14, 223, 96], strides = [1, 1, 1]} : vector<14x224x96xf32> to vector<14x223x96xf32>
    %concatenate3A_55 = tpu.concatenate %slice3A_54, %broadcast_in_dim3A_53 in 1 : vector<14x223x96xf32>, vector<14x1x96xf32> -> vector<14x224x96xf32>
    %mul3A_56 = arith.mulf %reshape3A, %concatenate3A_55 : vector<14x224x96xf32>
    %broadcast_in_dim3A_57 = arith.constant 1.000000e+00 : f32
    %broadcast_in_dim3A_58 = vector.broadcast %broadcast_in_dim3A_57 : f32 to vector<14x2x96xf32>
    %slice3A_59 = vector.extract_strided_slice %mul3A_56 {offsets = [0, 2, 0], sizes = [14, 222, 96], strides = [1, 1, 1]} : vector<14x224x96xf32> to vector<14x222x96xf32>
    %concatenate3A_60 = tpu.concatenate %slice3A_59, %broadcast_in_dim3A_58 in 1 : vector<14x222x96xf32>, vector<14x2x96xf32> -> vector<14x224x96xf32>
    %mul3A_61 = arith.mulf %mul3A_56, %concatenate3A_60 : vector<14x224x96xf32>
    %broadcast_in_dim3A_62 = arith.constant 1.000000e+00 : f32
    %broadcast_in_dim3A_63 = vector.broadcast %broadcast_in_dim3A_62 : f32 to vector<14x4x96xf32>
    %slice3A_64 = vector.extract_strided_slice %mul3A_61 {offsets = [0, 4, 0], sizes = [14, 220, 96], strides = [1, 1, 1]} : vector<14x224x96xf32> to vector<14x220x96xf32>
    %concatenate3A_65 = tpu.concatenate %slice3A_64, %broadcast_in_dim3A_63 in 1 : vector<14x220x96xf32>, vector<14x4x96xf32> -> vector<14x224x96xf32>
    %mul3A_66 = arith.mulf %mul3A_61, %concatenate3A_65 : vector<14x224x96xf32>
    %broadcast_in_dim3A_67 = arith.constant 1.000000e+00 : f32
    %broadcast_in_dim3A_68 = vector.broadcast %broadcast_in_dim3A_67 : f32 to vector<14x8x96xf32>
    %slice3A_69 = vector.extract_strided_slice %mul3A_66 {offsets = [0, 8, 0], sizes = [14, 216, 96], strides = [1, 1, 1]} : vector<14x224x96xf32> to vector<14x216x96xf32>
    %concatenate3A_70 = tpu.concatenate %slice3A_69, %broadcast_in_dim3A_68 in 1 : vector<14x216x96xf32>, vector<14x8x96xf32> -> vector<14x224x96xf32>
    %mul3A_71 = arith.mulf %mul3A_66, %concatenate3A_70 : vector<14x224x96xf32>
    %broadcast_in_dim3A_72 = arith.constant 1.000000e+00 : f32
    %broadcast_in_dim3A_73 = vector.broadcast %broadcast_in_dim3A_72 : f32 to vector<14x16x96xf32>
    %slice3A_74 = vector.extract_strided_slice %mul3A_71 {offsets = [0, 16, 0], sizes = [14, 208, 96], strides = [1, 1, 1]} : vector<14x224x96xf32> to vector<14x208x96xf32>
    %concatenate3A_75 = tpu.concatenate %slice3A_74, %broadcast_in_dim3A_73 in 1 : vector<14x208x96xf32>, vector<14x16x96xf32> -> vector<14x224x96xf32>
    %mul3A_76 = arith.mulf %mul3A_71, %concatenate3A_75 : vector<14x224x96xf32>
    %broadcast_in_dim3A_77 = arith.constant 1.000000e+00 : f32
    %broadcast_in_dim3A_78 = vector.broadcast %broadcast_in_dim3A_77 : f32 to vector<14x32x96xf32>
    %slice3A_79 = vector.extract_strided_slice %mul3A_76 {offsets = [0, 32, 0], sizes = [14, 192, 96], strides = [1, 1, 1]} : vector<14x224x96xf32> to vector<14x192x96xf32>
    %concatenate3A_80 = tpu.concatenate %slice3A_79, %broadcast_in_dim3A_78 in 1 : vector<14x192x96xf32>, vector<14x32x96xf32> -> vector<14x224x96xf32>
    %mul3A_81 = arith.mulf %mul3A_76, %concatenate3A_80 : vector<14x224x96xf32>
    %broadcast_in_dim3A_82 = arith.constant 1.000000e+00 : f32
    %broadcast_in_dim3A_83 = vector.broadcast %broadcast_in_dim3A_82 : f32 to vector<14x64x96xf32>
    %slice3A_84 = vector.extract_strided_slice %mul3A_81 {offsets = [0, 64, 0], sizes = [14, 160, 96], strides = [1, 1, 1]} : vector<14x224x96xf32> to vector<14x160x96xf32>
    %concatenate3A_85 = tpu.concatenate %slice3A_84, %broadcast_in_dim3A_83 in 1 : vector<14x160x96xf32>, vector<14x64x96xf32> -> vector<14x224x96xf32>
    %mul3A_86 = arith.mulf %mul3A_81, %concatenate3A_85 : vector<14x224x96xf32>
    %broadcast_in_dim3A_87 = arith.constant 1.000000e+00 : f32
    %broadcast_in_dim3A_88 = vector.broadcast %broadcast_in_dim3A_87 : f32 to vector<14x128x96xf32>
    %slice3A_89 = vector.extract_strided_slice %mul3A_86 {offsets = [0, 128, 0], sizes = [14, 96, 96], strides = [1, 1, 1]} : vector<14x224x96xf32> to vector<14x96x96xf32>
    %concatenate3A_90 = tpu.concatenate %slice3A_89, %broadcast_in_dim3A_88 in 1 : vector<14x96x96xf32>, vector<14x128x96xf32> -> vector<14x224x96xf32>
    %mul3A_91 = arith.mulf %mul3A_86, %concatenate3A_90 : vector<14x224x96xf32>
    %broadcast_in_dim3A_92 = arith.constant 1.000000e+00 : f32
    %broadcast_in_dim3A_93 = vector.broadcast %broadcast_in_dim3A_92 : f32 to vector<14x1x96xf32>
    %slice3A_94 = vector.extract_strided_slice %mul3A_91 {offsets = [0, 1, 0], sizes = [14, 223, 96], strides = [1, 1, 1]} : vector<14x224x96xf32> to vector<14x223x96xf32>
    %concatenate3A_95 = tpu.concatenate %slice3A_94, %broadcast_in_dim3A_93 in 1 : vector<14x223x96xf32>, vector<14x1x96xf32> -> vector<14x224x96xf32>
    %slice3A_96 = vector.extract_strided_slice %mul3A_91 {offsets = [0, 0, 0], sizes = [14, 1, 96], strides = [1, 1, 1]} : vector<14x224x96xf32> to vector<14x1x96xf32>
    %squeeze3A = vector.shape_cast %slice3A_96 : vector<14x1x96xf32> to vector<14x96xf32>
    %mul3A_97 = arith.mulf %concatenate3A_95, %reshape3A_51 : vector<14x224x96xf32>
    %reduce_sum3A = arith.constant dense<0.000000e+00> : vector<14x96xf32>
    %reduce_sum3A_98 = vector.multi_reduction <add>, %mul3A_97, %reduce_sum3A [1] : vector<14x224x96xf32> to vector<14x96xf32>
    %broadcast_in_dim3A_99 = arith.constant 1.000000e+00 : f32
    %broadcast_in_dim3A_100 = vector.broadcast %broadcast_in_dim3A_99 : f32 to vector<14x1x96xf32>
    %slice3A_101 = vector.extract_strided_slice %reshape3A_50 {offsets = [0, 0, 0], sizes = [14, 223, 96], strides = [1, 1, 1]} : vector<14x224x96xf32> to vector<14x223x96xf32>
    %concatenate3A_102 = tpu.concatenate %broadcast_in_dim3A_100, %slice3A_101 in 1 : vector<14x1x96xf32>, vector<14x223x96xf32> -> vector<14x224x96xf32>
    %mul3A_103 = arith.mulf %reshape3A_50, %concatenate3A_102 : vector<14x224x96xf32>
    %broadcast_in_dim3A_104 = arith.constant 1.000000e+00 : f32
    %broadcast_in_dim3A_105 = vector.broadcast %broadcast_in_dim3A_104 : f32 to vector<14x2x96xf32>
    %slice3A_106 = vector.extract_strided_slice %mul3A_103 {offsets = [0, 0, 0], sizes = [14, 222, 96], strides = [1, 1, 1]} : vector<14x224x96xf32> to vector<14x222x96xf32>
    %concatenate3A_107 = tpu.concatenate %broadcast_in_dim3A_105, %slice3A_106 in 1 : vector<14x2x96xf32>, vector<14x222x96xf32> -> vector<14x224x96xf32>
    %mul3A_108 = arith.mulf %mul3A_103, %concatenate3A_107 : vector<14x224x96xf32>
    %broadcast_in_dim3A_109 = arith.constant 1.000000e+00 : f32
    %broadcast_in_dim3A_110 = vector.broadcast %broadcast_in_dim3A_109 : f32 to vector<14x4x96xf32>
    %slice3A_111 = vector.extract_strided_slice %mul3A_108 {offsets = [0, 0, 0], sizes = [14, 220, 96], strides = [1, 1, 1]} : vector<14x224x96xf32> to vector<14x220x96xf32>
    %concatenate3A_112 = tpu.concatenate %broadcast_in_dim3A_110, %slice3A_111 in 1 : vector<14x4x96xf32>, vector<14x220x96xf32> -> vector<14x224x96xf32>
    %mul3A_113 = arith.mulf %mul3A_108, %concatenate3A_112 : vector<14x224x96xf32>
    %broadcast_in_dim3A_114 = arith.constant 1.000000e+00 : f32
    %broadcast_in_dim3A_115 = vector.broadcast %broadcast_in_dim3A_114 : f32 to vector<14x8x96xf32>
    %slice3A_116 = vector.extract_strided_slice %mul3A_113 {offsets = [0, 0, 0], sizes = [14, 216, 96], strides = [1, 1, 1]} : vector<14x224x96xf32> to vector<14x216x96xf32>
    %concatenate3A_117 = tpu.concatenate %broadcast_in_dim3A_115, %slice3A_116 in 1 : vector<14x8x96xf32>, vector<14x216x96xf32> -> vector<14x224x96xf32>
    %mul3A_118 = arith.mulf %mul3A_113, %concatenate3A_117 : vector<14x224x96xf32>
    %broadcast_in_dim3A_119 = arith.constant 1.000000e+00 : f32
    %broadcast_in_dim3A_120 = vector.broadcast %broadcast_in_dim3A_119 : f32 to vector<14x16x96xf32>
    %slice3A_121 = vector.extract_strided_slice %mul3A_118 {offsets = [0, 0, 0], sizes = [14, 208, 96], strides = [1, 1, 1]} : vector<14x224x96xf32> to vector<14x208x96xf32>
    %concatenate3A_122 = tpu.concatenate %broadcast_in_dim3A_120, %slice3A_121 in 1 : vector<14x16x96xf32>, vector<14x208x96xf32> -> vector<14x224x96xf32>
    %mul3A_123 = arith.mulf %mul3A_118, %concatenate3A_122 : vector<14x224x96xf32>
    %broadcast_in_dim3A_124 = arith.constant 1.000000e+00 : f32
    %broadcast_in_dim3A_125 = vector.broadcast %broadcast_in_dim3A_124 : f32 to vector<14x32x96xf32>
    %slice3A_126 = vector.extract_strided_slice %mul3A_123 {offsets = [0, 0, 0], sizes = [14, 192, 96], strides = [1, 1, 1]} : vector<14x224x96xf32> to vector<14x192x96xf32>
    %concatenate3A_127 = tpu.concatenate %broadcast_in_dim3A_125, %slice3A_126 in 1 : vector<14x32x96xf32>, vector<14x192x96xf32> -> vector<14x224x96xf32>
    %mul3A_128 = arith.mulf %mul3A_123, %concatenate3A_127 : vector<14x224x96xf32>
    %broadcast_in_dim3A_129 = arith.constant 1.000000e+00 : f32
    %broadcast_in_dim3A_130 = vector.broadcast %broadcast_in_dim3A_129 : f32 to vector<14x64x96xf32>
    %slice3A_131 = vector.extract_strided_slice %mul3A_128 {offsets = [0, 0, 0], sizes = [14, 160, 96], strides = [1, 1, 1]} : vector<14x224x96xf32> to vector<14x160x96xf32>
    %concatenate3A_132 = tpu.concatenate %broadcast_in_dim3A_130, %slice3A_131 in 1 : vector<14x64x96xf32>, vector<14x160x96xf32> -> vector<14x224x96xf32>
    %mul3A_133 = arith.mulf %mul3A_128, %concatenate3A_132 : vector<14x224x96xf32>
    %broadcast_in_dim3A_134 = arith.constant 1.000000e+00 : f32
    %broadcast_in_dim3A_135 = vector.broadcast %broadcast_in_dim3A_134 : f32 to vector<14x128x96xf32>
    %slice3A_136 = vector.extract_strided_slice %mul3A_133 {offsets = [0, 0, 0], sizes = [14, 96, 96], strides = [1, 1, 1]} : vector<14x224x96xf32> to vector<14x96x96xf32>
    %concatenate3A_137 = tpu.concatenate %broadcast_in_dim3A_135, %slice3A_136 in 1 : vector<14x128x96xf32>, vector<14x96x96xf32> -> vector<14x224x96xf32>
    %mul3A_138 = arith.mulf %mul3A_133, %concatenate3A_137 : vector<14x224x96xf32>
    %broadcast_in_dim3A_139 = arith.constant 1.000000e+00 : f32
    %broadcast_in_dim3A_140 = vector.broadcast %broadcast_in_dim3A_139 : f32 to vector<14x1x96xf32>
    %slice3A_141 = vector.extract_strided_slice %mul3A_138 {offsets = [0, 0, 0], sizes = [14, 223, 96], strides = [1, 1, 1]} : vector<14x224x96xf32> to vector<14x223x96xf32>
    %concatenate3A_142 = tpu.concatenate %broadcast_in_dim3A_140, %slice3A_141 in 1 : vector<14x1x96xf32>, vector<14x223x96xf32> -> vector<14x224x96xf32>
    %slice3A_143 = vector.extract_strided_slice %mul3A_138 {offsets = [0, 223, 0], sizes = [14, 1, 96], strides = [1, 1, 1]} : vector<14x224x96xf32> to vector<14x1x96xf32>
    %squeeze3A_144 = vector.shape_cast %slice3A_143 : vector<14x1x96xf32> to vector<14x96xf32>
    %mul3A_145 = arith.mulf %concatenate3A_142, %reshape3A_51 : vector<14x224x96xf32>
    %reduce_sum3A_146 = arith.constant dense<0.000000e+00> : vector<14x96xf32>
    %reduce_sum3A_147 = vector.multi_reduction <add>, %mul3A_145, %reduce_sum3A_146 [1] : vector<14x224x96xf32> to vector<14x96xf32>
    %broadcast_in_dim3A_148 = arith.constant 0.000000e+00 : f32
    %broadcast_in_dim3A_149 = vector.broadcast %broadcast_in_dim3A_148 : f32 to vector<1x96xf32>
    %slice3A_150 = vector.extract_strided_slice %squeeze3A {offsets = [0, 0], sizes = [1, 96], strides = [1, 1]} : vector<14x96xf32> to vector<1x96xf32>
    %mul3A_151 = arith.mulf %slice3A_150, %broadcast_in_dim3A_149 : vector<1x96xf32>
    %slice3A_152 = vector.extract_strided_slice %reduce_sum3A_98 {offsets = [0, 0], sizes = [1, 96], strides = [1, 1]} : vector<14x96xf32> to vector<1x96xf32>
    %add3A_153 = arith.addf %mul3A_151, %slice3A_152 : vector<1x96xf32>
    %slice3A_154 = vector.extract_strided_slice %squeeze3A {offsets = [1, 0], sizes = [1, 96], strides = [1, 1]} : vector<14x96xf32> to vector<1x96xf32>
    %mul3A_155 = arith.mulf %slice3A_154, %add3A_153 : vector<1x96xf32>
    %slice3A_156 = vector.extract_strided_slice %reduce_sum3A_98 {offsets = [1, 0], sizes = [1, 96], strides = [1, 1]} : vector<14x96xf32> to vector<1x96xf32>
    %add3A_157 = arith.addf %mul3A_155, %slice3A_156 : vector<1x96xf32>
    %slice3A_158 = vector.extract_strided_slice %squeeze3A {offsets = [2, 0], sizes = [1, 96], strides = [1, 1]} : vector<14x96xf32> to vector<1x96xf32>
    %mul3A_159 = arith.mulf %slice3A_158, %add3A_157 : vector<1x96xf32>
    %slice3A_160 = vector.extract_strided_slice %reduce_sum3A_98 {offsets = [2, 0], sizes = [1, 96], strides = [1, 1]} : vector<14x96xf32> to vector<1x96xf32>
    %add3A_161 = arith.addf %mul3A_159, %slice3A_160 : vector<1x96xf32>
    %slice3A_162 = vector.extract_strided_slice %squeeze3A {offsets = [3, 0], sizes = [1, 96], strides = [1, 1]} : vector<14x96xf32> to vector<1x96xf32>
    %mul3A_163 = arith.mulf %slice3A_162, %add3A_161 : vector<1x96xf32>
    %slice3A_164 = vector.extract_strided_slice %reduce_sum3A_98 {offsets = [3, 0], sizes = [1, 96], strides = [1, 1]} : vector<14x96xf32> to vector<1x96xf32>
    %add3A_165 = arith.addf %mul3A_163, %slice3A_164 : vector<1x96xf32>
    %slice3A_166 = vector.extract_strided_slice %squeeze3A {offsets = [4, 0], sizes = [1, 96], strides = [1, 1]} : vector<14x96xf32> to vector<1x96xf32>
    %mul3A_167 = arith.mulf %slice3A_166, %add3A_165 : vector<1x96xf32>
    %slice3A_168 = vector.extract_strided_slice %reduce_sum3A_98 {offsets = [4, 0], sizes = [1, 96], strides = [1, 1]} : vector<14x96xf32> to vector<1x96xf32>
    %add3A_169 = arith.addf %mul3A_167, %slice3A_168 : vector<1x96xf32>
    %slice3A_170 = vector.extract_strided_slice %squeeze3A {offsets = [5, 0], sizes = [1, 96], strides = [1, 1]} : vector<14x96xf32> to vector<1x96xf32>
    %mul3A_171 = arith.mulf %slice3A_170, %add3A_169 : vector<1x96xf32>
    %slice3A_172 = vector.extract_strided_slice %reduce_sum3A_98 {offsets = [5, 0], sizes = [1, 96], strides = [1, 1]} : vector<14x96xf32> to vector<1x96xf32>
    %add3A_173 = arith.addf %mul3A_171, %slice3A_172 : vector<1x96xf32>
    %slice3A_174 = vector.extract_strided_slice %squeeze3A {offsets = [6, 0], sizes = [1, 96], strides = [1, 1]} : vector<14x96xf32> to vector<1x96xf32>
    %mul3A_175 = arith.mulf %slice3A_174, %add3A_173 : vector<1x96xf32>
    %slice3A_176 = vector.extract_strided_slice %reduce_sum3A_98 {offsets = [6, 0], sizes = [1, 96], strides = [1, 1]} : vector<14x96xf32> to vector<1x96xf32>
    %add3A_177 = arith.addf %mul3A_175, %slice3A_176 : vector<1x96xf32>
    %slice3A_178 = vector.extract_strided_slice %squeeze3A {offsets = [7, 0], sizes = [1, 96], strides = [1, 1]} : vector<14x96xf32> to vector<1x96xf32>
    %mul3A_179 = arith.mulf %slice3A_178, %add3A_177 : vector<1x96xf32>
    %slice3A_180 = vector.extract_strided_slice %reduce_sum3A_98 {offsets = [7, 0], sizes = [1, 96], strides = [1, 1]} : vector<14x96xf32> to vector<1x96xf32>
    %add3A_181 = arith.addf %mul3A_179, %slice3A_180 : vector<1x96xf32>
    %slice3A_182 = vector.extract_strided_slice %squeeze3A {offsets = [8, 0], sizes = [1, 96], strides = [1, 1]} : vector<14x96xf32> to vector<1x96xf32>
    %mul3A_183 = arith.mulf %slice3A_182, %add3A_181 : vector<1x96xf32>
    %slice3A_184 = vector.extract_strided_slice %reduce_sum3A_98 {offsets = [8, 0], sizes = [1, 96], strides = [1, 1]} : vector<14x96xf32> to vector<1x96xf32>
    %add3A_185 = arith.addf %mul3A_183, %slice3A_184 : vector<1x96xf32>
    %slice3A_186 = vector.extract_strided_slice %squeeze3A {offsets = [9, 0], sizes = [1, 96], strides = [1, 1]} : vector<14x96xf32> to vector<1x96xf32>
    %mul3A_187 = arith.mulf %slice3A_186, %add3A_185 : vector<1x96xf32>
    %slice3A_188 = vector.extract_strided_slice %reduce_sum3A_98 {offsets = [9, 0], sizes = [1, 96], strides = [1, 1]} : vector<14x96xf32> to vector<1x96xf32>
    %add3A_189 = arith.addf %mul3A_187, %slice3A_188 : vector<1x96xf32>
    %slice3A_190 = vector.extract_strided_slice %squeeze3A {offsets = [10, 0], sizes = [1, 96], strides = [1, 1]} : vector<14x96xf32> to vector<1x96xf32>
    %mul3A_191 = arith.mulf %slice3A_190, %add3A_189 : vector<1x96xf32>
    %slice3A_192 = vector.extract_strided_slice %reduce_sum3A_98 {offsets = [10, 0], sizes = [1, 96], strides = [1, 1]} : vector<14x96xf32> to vector<1x96xf32>
    %add3A_193 = arith.addf %mul3A_191, %slice3A_192 : vector<1x96xf32>
    %slice3A_194 = vector.extract_strided_slice %squeeze3A {offsets = [11, 0], sizes = [1, 96], strides = [1, 1]} : vector<14x96xf32> to vector<1x96xf32>
    %mul3A_195 = arith.mulf %slice3A_194, %add3A_193 : vector<1x96xf32>
    %slice3A_196 = vector.extract_strided_slice %reduce_sum3A_98 {offsets = [11, 0], sizes = [1, 96], strides = [1, 1]} : vector<14x96xf32> to vector<1x96xf32>
    %add3A_197 = arith.addf %mul3A_195, %slice3A_196 : vector<1x96xf32>
    %slice3A_198 = vector.extract_strided_slice %squeeze3A {offsets = [12, 0], sizes = [1, 96], strides = [1, 1]} : vector<14x96xf32> to vector<1x96xf32>
    %mul3A_199 = arith.mulf %slice3A_198, %add3A_197 : vector<1x96xf32>
    %slice3A_200 = vector.extract_strided_slice %reduce_sum3A_98 {offsets = [12, 0], sizes = [1, 96], strides = [1, 1]} : vector<14x96xf32> to vector<1x96xf32>
    %add3A_201 = arith.addf %mul3A_199, %slice3A_200 : vector<1x96xf32>
    %broadcast_in_dim3A_202 = arith.constant 0.000000e+00 : f32
    %broadcast_in_dim3A_203 = vector.broadcast %broadcast_in_dim3A_202 : f32 to vector<1x96xf32>
    %slice3A_204 = vector.extract_strided_slice %squeeze3A_144 {offsets = [13, 0], sizes = [1, 96], strides = [1, 1]} : vector<14x96xf32> to vector<1x96xf32>
    %mul3A_205 = arith.mulf %slice3A_204, %broadcast_in_dim3A_203 : vector<1x96xf32>
    %slice3A_206 = vector.extract_strided_slice %reduce_sum3A_147 {offsets = [13, 0], sizes = [1, 96], strides = [1, 1]} : vector<14x96xf32> to vector<1x96xf32>
    %add3A_207 = arith.addf %mul3A_205, %slice3A_206 : vector<1x96xf32>
    %slice3A_208 = vector.extract_strided_slice %squeeze3A_144 {offsets = [12, 0], sizes = [1, 96], strides = [1, 1]} : vector<14x96xf32> to vector<1x96xf32>
    %mul3A_209 = arith.mulf %slice3A_208, %add3A_207 : vector<1x96xf32>
    %slice3A_210 = vector.extract_strided_slice %reduce_sum3A_147 {offsets = [12, 0], sizes = [1, 96], strides = [1, 1]} : vector<14x96xf32> to vector<1x96xf32>
    %add3A_211 = arith.addf %mul3A_209, %slice3A_210 : vector<1x96xf32>
    %slice3A_212 = vector.extract_strided_slice %squeeze3A_144 {offsets = [11, 0], sizes = [1, 96], strides = [1, 1]} : vector<14x96xf32> to vector<1x96xf32>
    %mul3A_213 = arith.mulf %slice3A_212, %add3A_211 : vector<1x96xf32>
    %slice3A_214 = vector.extract_strided_slice %reduce_sum3A_147 {offsets = [11, 0], sizes = [1, 96], strides = [1, 1]} : vector<14x96xf32> to vector<1x96xf32>
    %add3A_215 = arith.addf %mul3A_213, %slice3A_214 : vector<1x96xf32>
    %slice3A_216 = vector.extract_strided_slice %squeeze3A_144 {offsets = [10, 0], sizes = [1, 96], strides = [1, 1]} : vector<14x96xf32> to vector<1x96xf32>
    %mul3A_217 = arith.mulf %slice3A_216, %add3A_215 : vector<1x96xf32>
    %slice3A_218 = vector.extract_strided_slice %reduce_sum3A_147 {offsets = [10, 0], sizes = [1, 96], strides = [1, 1]} : vector<14x96xf32> to vector<1x96xf32>
    %add3A_219 = arith.addf %mul3A_217, %slice3A_218 : vector<1x96xf32>
    %slice3A_220 = vector.extract_strided_slice %squeeze3A_144 {offsets = [9, 0], sizes = [1, 96], strides = [1, 1]} : vector<14x96xf32> to vector<1x96xf32>
    %mul3A_221 = arith.mulf %slice3A_220, %add3A_219 : vector<1x96xf32>
    %slice3A_222 = vector.extract_strided_slice %reduce_sum3A_147 {offsets = [9, 0], sizes = [1, 96], strides = [1, 1]} : vector<14x96xf32> to vector<1x96xf32>
    %add3A_223 = arith.addf %mul3A_221, %slice3A_222 : vector<1x96xf32>
    %slice3A_224 = vector.extract_strided_slice %squeeze3A_144 {offsets = [8, 0], sizes = [1, 96], strides = [1, 1]} : vector<14x96xf32> to vector<1x96xf32>
    %mul3A_225 = arith.mulf %slice3A_224, %add3A_223 : vector<1x96xf32>
    %slice3A_226 = vector.extract_strided_slice %reduce_sum3A_147 {offsets = [8, 0], sizes = [1, 96], strides = [1, 1]} : vector<14x96xf32> to vector<1x96xf32>
    %add3A_227 = arith.addf %mul3A_225, %slice3A_226 : vector<1x96xf32>
    %slice3A_228 = vector.extract_strided_slice %squeeze3A_144 {offsets = [7, 0], sizes = [1, 96], strides = [1, 1]} : vector<14x96xf32> to vector<1x96xf32>
    %mul3A_229 = arith.mulf %slice3A_228, %add3A_227 : vector<1x96xf32>
    %slice3A_230 = vector.extract_strided_slice %reduce_sum3A_147 {offsets = [7, 0], sizes = [1, 96], strides = [1, 1]} : vector<14x96xf32> to vector<1x96xf32>
    %add3A_231 = arith.addf %mul3A_229, %slice3A_230 : vector<1x96xf32>
    %slice3A_232 = vector.extract_strided_slice %squeeze3A_144 {offsets = [6, 0], sizes = [1, 96], strides = [1, 1]} : vector<14x96xf32> to vector<1x96xf32>
    %mul3A_233 = arith.mulf %slice3A_232, %add3A_231 : vector<1x96xf32>
    %slice3A_234 = vector.extract_strided_slice %reduce_sum3A_147 {offsets = [6, 0], sizes = [1, 96], strides = [1, 1]} : vector<14x96xf32> to vector<1x96xf32>
    %add3A_235 = arith.addf %mul3A_233, %slice3A_234 : vector<1x96xf32>
    %slice3A_236 = vector.extract_strided_slice %squeeze3A_144 {offsets = [5, 0], sizes = [1, 96], strides = [1, 1]} : vector<14x96xf32> to vector<1x96xf32>
    %mul3A_237 = arith.mulf %slice3A_236, %add3A_235 : vector<1x96xf32>
    %slice3A_238 = vector.extract_strided_slice %reduce_sum3A_147 {offsets = [5, 0], sizes = [1, 96], strides = [1, 1]} : vector<14x96xf32> to vector<1x96xf32>
    %add3A_239 = arith.addf %mul3A_237, %slice3A_238 : vector<1x96xf32>
    %slice3A_240 = vector.extract_strided_slice %squeeze3A_144 {offsets = [4, 0], sizes = [1, 96], strides = [1, 1]} : vector<14x96xf32> to vector<1x96xf32>
    %mul3A_241 = arith.mulf %slice3A_240, %add3A_239 : vector<1x96xf32>
    %slice3A_242 = vector.extract_strided_slice %reduce_sum3A_147 {offsets = [4, 0], sizes = [1, 96], strides = [1, 1]} : vector<14x96xf32> to vector<1x96xf32>
    %add3A_243 = arith.addf %mul3A_241, %slice3A_242 : vector<1x96xf32>
    %slice3A_244 = vector.extract_strided_slice %squeeze3A_144 {offsets = [3, 0], sizes = [1, 96], strides = [1, 1]} : vector<14x96xf32> to vector<1x96xf32>
    %mul3A_245 = arith.mulf %slice3A_244, %add3A_243 : vector<1x96xf32>
    %slice3A_246 = vector.extract_strided_slice %reduce_sum3A_147 {offsets = [3, 0], sizes = [1, 96], strides = [1, 1]} : vector<14x96xf32> to vector<1x96xf32>
    %add3A_247 = arith.addf %mul3A_245, %slice3A_246 : vector<1x96xf32>
    %slice3A_248 = vector.extract_strided_slice %squeeze3A_144 {offsets = [2, 0], sizes = [1, 96], strides = [1, 1]} : vector<14x96xf32> to vector<1x96xf32>
    %mul3A_249 = arith.mulf %slice3A_248, %add3A_247 : vector<1x96xf32>
    %slice3A_250 = vector.extract_strided_slice %reduce_sum3A_147 {offsets = [2, 0], sizes = [1, 96], strides = [1, 1]} : vector<14x96xf32> to vector<1x96xf32>
    %add3A_251 = arith.addf %mul3A_249, %slice3A_250 : vector<1x96xf32>
    %slice3A_252 = vector.extract_strided_slice %squeeze3A_144 {offsets = [1, 0], sizes = [1, 96], strides = [1, 1]} : vector<14x96xf32> to vector<1x96xf32>
    %mul3A_253 = arith.mulf %slice3A_252, %add3A_251 : vector<1x96xf32>
    %slice3A_254 = vector.extract_strided_slice %reduce_sum3A_147 {offsets = [1, 0], sizes = [1, 96], strides = [1, 1]} : vector<14x96xf32> to vector<1x96xf32>
    %add3A_255 = arith.addf %mul3A_253, %slice3A_254 : vector<1x96xf32>
    %concatenate3A_256 = tpu.concatenate %broadcast_in_dim3A_149, %add3A_153, %add3A_157, %add3A_161, %add3A_165, %add3A_169, %add3A_173, %add3A_177, %add3A_181, %add3A_185, %add3A_189, %add3A_193, %add3A_197, %add3A_201 in 0 : vector<1x96xf32>, vector<1x96xf32>, vector<1x96xf32>, vector<1x96xf32>, vector<1x96xf32>, vector<1x96xf32>, vector<1x96xf32>, vector<1x96xf32>, vector<1x96xf32>, vector<1x96xf32>, vector<1x96xf32>, vector<1x96xf32>, vector<1x96xf32>, vector<1x96xf32> -> vector<14x96xf32>
    %reshape3A_257 = vector.shape_cast %concatenate3A_256 : vector<14x96xf32> to vector<14x1x96xf32>
    %concatenate3A_258 = tpu.concatenate %add3A_255, %add3A_251, %add3A_247, %add3A_243, %add3A_239, %add3A_235, %add3A_231, %add3A_227, %add3A_223, %add3A_219, %add3A_215, %add3A_211, %add3A_207, %broadcast_in_dim3A_203 in 0 : vector<1x96xf32>, vector<1x96xf32>, vector<1x96xf32>, vector<1x96xf32>, vector<1x96xf32>, vector<1x96xf32>, vector<1x96xf32>, vector<1x96xf32>, vector<1x96xf32>, vector<1x96xf32>, vector<1x96xf32>, vector<1x96xf32>, vector<1x96xf32>, vector<1x96xf32> -> vector<14x96xf32>
    %reshape3A_259 = vector.shape_cast %concatenate3A_258 : vector<14x96xf32> to vector<14x1x96xf32>
    %concatenate3A_260 = tpu.concatenate %reshape3A_257, %reshape3A_259 in 1 : vector<14x1x96xf32>, vector<14x1x96xf32> -> vector<14x2x96xf32>
    %swap3A_261 = arith.constant 0 : index
    %swap3A_262 = arith.constant 0 : index
    %swap3A_263 = arith.constant 0 : index
    %swap3A_264 = arith.constant 0 : index
    %swap3A_265 = vector.load %arg8[%swap3A_261, %swap3A_262, %swap3A_263, %swap3A_264] : memref<1x14x2x96xf32, #tpu.memory_space<vmem>>, vector<1x14x2x96xf32>
    %swap3A_266 = vector.shape_cast %swap3A_265 : vector<1x14x2x96xf32> to vector<14x2x96xf32>
    %swap3A_267 = vector.shape_cast %concatenate3A_260 : vector<14x2x96xf32> to vector<1x14x2x96xf32>
    tpu.vector_store %arg8[%swap3A_261, %swap3A_262, %swap3A_263, %swap3A_264], %swap3A_267 {strides = array<i32>} : memref<1x14x2x96xf32, #tpu.memory_space<vmem>>, vector<1x14x2x96xf32>,
    return
  }
  func.func @transform_0(%arg0: i32) -> (i32, i32, i32) {
    %c0_i32 = arith.constant 0 : i32
    %c0_i32_0 = arith.constant 0 : i32
    %c0_i32_1 = arith.constant 0 : i32
    return %arg0, %c0_i32, %c0_i32_0 : i32, i32, i32
  }
  func.func @transform_1(%arg0: i32) -> (i32, i32) {
    %c0_i32 = arith.constant 0 : i32
    %c0_i32_0 = arith.constant 0 : i32
    %c0_i32_1 = arith.constant 0 : i32
    return %c0_i32, %c0_i32_0 : i32, i32
  }
  func.func @transform_2(%arg0: i32) -> (i32, i32) {
    %c0_i32 = arith.constant 0 : i32
    %c0_i32_0 = arith.constant 0 : i32
    %c0_i32_1 = arith.constant 0 : i32
    return %c0_i32, %c0_i32_0 : i32, i32
  }
  func.func @transform_3(%arg0: i32) -> (i32, i32) {
    %c0_i32 = arith.constant 0 : i32
    %c0_i32_0 = arith.constant 0 : i32
    %c0_i32_1 = arith.constant 0 : i32
    return %c0_i32, %c0_i32_0 : i32, i32
  }
  func.func @transform_4(%arg0: i32) -> (i32, i32) {
    %c0_i32 = arith.constant 0 : i32
    %c0_i32_0 = arith.constant 0 : i32
    %c0_i32_1 = arith.constant 0 : i32
    return %c0_i32, %c0_i32_0 : i32, i32
  }
  func.func @transform_5(%arg0: i32) -> (i32, i32, i32) {
    %c0_i32 = arith.constant 0 : i32
    %c0_i32_0 = arith.constant 0 : i32
    %c0_i32_1 = arith.constant 0 : i32
    return %arg0, %c0_i32, %c0_i32_0 : i32, i32, i32
  }
  func.func @transform_6(%arg0: i32) -> (i32, i32, i32) {
    %c0_i32 = arith.constant 0 : i32
    %c0_i32_0 = arith.constant 0 : i32
    %c0_i32_1 = arith.constant 0 : i32
    return %arg0, %c0_i32, %c0_i32_0 : i32, i32, i32
  }
  func.func @transform_7(%arg0: i32) -> (i32, i32, i32, i32) {
    %c0_i32 = arith.constant 0 : i32
    %c0_i32_0 = arith.constant 0 : i32
    %c0_i32_1 = arith.constant 0 : i32
    %c0_i32_2 = arith.constant 0 : i32
    return %arg0, %c0_i32, %c0_i32_0, %c0_i32_1 : i32, i32, i32, i32
  }
}

module attributes {stable_mosaic.version = 14 : i64} {
  func.func @_post_kernel(%arg0: i32, %arg1: memref<1x3136x96xf32, #tpu.memory_space<vmem>>, %arg2: memref<1x3136x96xf32, #tpu.memory_space<vmem>>, %arg3: memref<8x96xf32, #tpu.memory_space<vmem>>, %arg4: memref<1x96xf32, #tpu.memory_space<vmem>>, %arg5: memref<1x96xf32, #tpu.memory_space<vmem>>, %arg6: memref<1x96xf32, #tpu.memory_space<vmem>>, %arg7: memref<1x96xf32, #tpu.memory_space<vmem>>, %arg8: memref<1x96xf32, #tpu.memory_space<vmem>>, %arg9: memref<1x3136x96xf32, #tpu.memory_space<vmem>>) attributes {dimension_semantics = [#tpu.dimension_semantics<arbitrary>], iteration_bounds = array<i64: 2>, scalar_prefetch = 0 : i64, scratch_operands = 0 : i64, tpu.core_type = #tpu.core_type<tc>, window_params = [{transform_indices = @transform_0, window_bounds = array<i64: 1, 3136, 96>}, {transform_indices = @transform_1, window_bounds = array<i64: 1, 3136, 96>}, {pipeline_mode = #tpu.pipeline_mode<synchronous>, transform_indices = @transform_2, window_bounds = array<i64: 8, 96>}, {pipeline_mode = #tpu.pipeline_mode<synchronous>, transform_indices = @transform_3, window_bounds = array<i64: 1, 96>}, {pipeline_mode = #tpu.pipeline_mode<synchronous>, transform_indices = @transform_4, window_bounds = array<i64: 1, 96>}, {pipeline_mode = #tpu.pipeline_mode<synchronous>, transform_indices = @transform_5, window_bounds = array<i64: 1, 96>}, {pipeline_mode = #tpu.pipeline_mode<synchronous>, transform_indices = @transform_6, window_bounds = array<i64: 1, 96>}, {pipeline_mode = #tpu.pipeline_mode<synchronous>, transform_indices = @transform_7, window_bounds = array<i64: 1, 96>}, {transform_indices = @transform_8, window_bounds = array<i64: 1, 3136, 96>}]} {
    %get3A = arith.constant 0 : index
    %get3A_0 = arith.constant 0 : index
    %get3A_1 = arith.constant 0 : index
    %get3A_2 = vector.load %arg1[%get3A, %get3A_0, %get3A_1] : memref<1x3136x96xf32, #tpu.memory_space<vmem>>, vector<1x3136x96xf32>
    %get3A_3 = vector.shape_cast %get3A_2 : vector<1x3136x96xf32> to vector<3136x96xf32>
    %get3A_4 = arith.constant 0 : index
    %get3A_5 = arith.constant 0 : index
    %get3A_6 = arith.constant 0 : index
    %get3A_7 = vector.load %arg2[%get3A_4, %get3A_5, %get3A_6] : memref<1x3136x96xf32, #tpu.memory_space<vmem>>, vector<1x3136x96xf32>
    %get3A_8 = vector.shape_cast %get3A_7 : vector<1x3136x96xf32> to vector<3136x96xf32>
    %get3A_9 = arith.constant 0 : index
    %get3A_10 = arith.constant 0 : index
    %get3A_11 = vector.load %arg3[%get3A_9, %get3A_10] : memref<8x96xf32, #tpu.memory_space<vmem>>, vector<8x96xf32>
    %slice3A = vector.extract_strided_slice %get3A_11 {offsets = [7, 0], sizes = [1, 96], strides = [1, 1]} : vector<8x96xf32> to vector<1x96xf32>
    %dot_general3A = arith.constant dense<0.000000e+00> : vector<3136x1xf32>
    %dot_general3A_12 = tpu.matmul %get3A_3, %slice3A, %dot_general3A {dimension_numbers = #tpu.dot_dimension_numbers<[1], [1], [0], [0], [0, 0, 1, 0], [], []>, transpose_lhs_hint = false} : vector<3136x96xf32>, vector<1x96xf32>, vector<3136x1xf32> -> vector<3136x1xf32>
    %reduce_sum3A = arith.constant dense<0.000000e+00> : vector<3136xf32>
    %reduce_sum3A_13 = vector.multi_reduction <add>, %get3A_8, %reduce_sum3A [1] : vector<3136x96xf32> to vector<3136xf32>
    %broadcast_in_dim3A = vector.shape_cast %reduce_sum3A_13 : vector<3136xf32> to vector<3136x1xf32>
    %div3A = arith.constant 9.600000e+01 : f32
    %div3A_14 = vector.broadcast %div3A : f32 to vector<3136x1xf32>
    %div3A_15 = arith.divf %broadcast_in_dim3A, %div3A_14 : vector<3136x1xf32>
    %sub3A = vector.broadcast %div3A_15 : vector<3136x1xf32> to vector<3136x96xf32>
    %sub3A_16 = arith.subf %get3A_8, %sub3A : vector<3136x96xf32>
    %integer_pow3A = arith.mulf %sub3A_16, %sub3A_16 : vector<3136x96xf32>
    %reduce_sum3A_17 = arith.constant dense<0.000000e+00> : vector<3136xf32>
    %reduce_sum3A_18 = vector.multi_reduction <add>, %integer_pow3A, %reduce_sum3A_17 [1] : vector<3136x96xf32> to vector<3136xf32>
    %broadcast_in_dim3A_19 = vector.shape_cast %reduce_sum3A_18 : vector<3136xf32> to vector<3136x1xf32>
    %div3A_20 = arith.constant 9.600000e+01 : f32
    %div3A_21 = vector.broadcast %div3A_20 : f32 to vector<3136x1xf32>
    %div3A_22 = arith.divf %broadcast_in_dim3A_19, %div3A_21 : vector<3136x1xf32>
    %sub3A_23 = vector.broadcast %div3A_15 : vector<3136x1xf32> to vector<3136x96xf32>
    %sub3A_24 = arith.subf %get3A_8, %sub3A_23 : vector<3136x96xf32>
    %add3A = arith.constant 9.99999974E-6 : f32
    %add3A_25 = vector.broadcast %add3A : f32 to vector<3136x1xf32>
    %add3A_26 = arith.addf %div3A_22, %add3A_25 : vector<3136x1xf32>
    %rsqrt3A = math.rsqrt %add3A_26 : vector<3136x1xf32>
    %mul3A = vector.broadcast %rsqrt3A : vector<3136x1xf32> to vector<3136x96xf32>
    %mul3A_27 = arith.mulf %sub3A_24, %mul3A : vector<3136x96xf32>
    %get3A_28 = arith.constant 0 : index
    %get3A_29 = arith.constant 0 : index
    %get3A_30 = vector.load %arg5[%get3A_28, %get3A_29] : memref<1x96xf32, #tpu.memory_space<vmem>>, vector<1x96xf32>
    %mul3A_31 = vector.broadcast %get3A_30 : vector<1x96xf32> to vector<3136x96xf32>
    %mul3A_32 = arith.mulf %mul3A_27, %mul3A_31 : vector<3136x96xf32>
    %get3A_33 = arith.constant 0 : index
    %get3A_34 = arith.constant 0 : index
    %get3A_35 = vector.load %arg6[%get3A_33, %get3A_34] : memref<1x96xf32, #tpu.memory_space<vmem>>, vector<1x96xf32>
    %add3A_36 = vector.broadcast %get3A_35 : vector<1x96xf32> to vector<3136x96xf32>
    %add3A_37 = arith.addf %mul3A_32, %add3A_36 : vector<3136x96xf32>
    %mul3A_38 = vector.broadcast %dot_general3A_12 : vector<3136x1xf32> to vector<3136x96xf32>
    %mul3A_39 = arith.mulf %add3A_37, %mul3A_38 : vector<3136x96xf32>
    %get3A_40 = arith.constant 0 : index
    %get3A_41 = arith.constant 0 : index
    %get3A_42 = vector.load %arg4[%get3A_40, %get3A_41] : memref<1x96xf32, #tpu.memory_space<vmem>>, vector<1x96xf32>
    %mul3A_43 = vector.broadcast %get3A_42 : vector<1x96xf32> to vector<3136x96xf32>
    %mul3A_44 = arith.mulf %mul3A_43, %get3A_3 : vector<3136x96xf32>
    %add3A_45 = arith.addf %mul3A_39, %mul3A_44 : vector<3136x96xf32>
    %reduce_sum3A_46 = arith.constant dense<0.000000e+00> : vector<3136xf32>
    %reduce_sum3A_47 = vector.multi_reduction <add>, %add3A_45, %reduce_sum3A_46 [1] : vector<3136x96xf32> to vector<3136xf32>
    %broadcast_in_dim3A_48 = vector.shape_cast %reduce_sum3A_47 : vector<3136xf32> to vector<3136x1xf32>
    %div3A_49 = arith.constant 9.600000e+01 : f32
    %div3A_50 = vector.broadcast %div3A_49 : f32 to vector<3136x1xf32>
    %div3A_51 = arith.divf %broadcast_in_dim3A_48, %div3A_50 : vector<3136x1xf32>
    %sub3A_52 = vector.broadcast %div3A_51 : vector<3136x1xf32> to vector<3136x96xf32>
    %sub3A_53 = arith.subf %add3A_45, %sub3A_52 : vector<3136x96xf32>
    %integer_pow3A_54 = arith.mulf %sub3A_53, %sub3A_53 : vector<3136x96xf32>
    %reduce_sum3A_55 = arith.constant dense<0.000000e+00> : vector<3136xf32>
    %reduce_sum3A_56 = vector.multi_reduction <add>, %integer_pow3A_54, %reduce_sum3A_55 [1] : vector<3136x96xf32> to vector<3136xf32>
    %broadcast_in_dim3A_57 = vector.shape_cast %reduce_sum3A_56 : vector<3136xf32> to vector<3136x1xf32>
    %div3A_58 = arith.constant 9.600000e+01 : f32
    %div3A_59 = vector.broadcast %div3A_58 : f32 to vector<3136x1xf32>
    %div3A_60 = arith.divf %broadcast_in_dim3A_57, %div3A_59 : vector<3136x1xf32>
    %sub3A_61 = vector.broadcast %div3A_51 : vector<3136x1xf32> to vector<3136x96xf32>
    %sub3A_62 = arith.subf %add3A_45, %sub3A_61 : vector<3136x96xf32>
    %add3A_63 = arith.constant 9.99999974E-6 : f32
    %add3A_64 = vector.broadcast %add3A_63 : f32 to vector<3136x1xf32>
    %add3A_65 = arith.addf %div3A_60, %add3A_64 : vector<3136x1xf32>
    %rsqrt3A_66 = math.rsqrt %add3A_65 : vector<3136x1xf32>
    %mul3A_67 = vector.broadcast %rsqrt3A_66 : vector<3136x1xf32> to vector<3136x96xf32>
    %mul3A_68 = arith.mulf %sub3A_62, %mul3A_67 : vector<3136x96xf32>
    %get3A_69 = arith.constant 0 : index
    %get3A_70 = arith.constant 0 : index
    %get3A_71 = vector.load %arg7[%get3A_69, %get3A_70] : memref<1x96xf32, #tpu.memory_space<vmem>>, vector<1x96xf32>
    %mul3A_72 = vector.broadcast %get3A_71 : vector<1x96xf32> to vector<3136x96xf32>
    %mul3A_73 = arith.mulf %mul3A_68, %mul3A_72 : vector<3136x96xf32>
    %get3A_74 = arith.constant 0 : index
    %get3A_75 = arith.constant 0 : index
    %get3A_76 = vector.load %arg8[%get3A_74, %get3A_75] : memref<1x96xf32, #tpu.memory_space<vmem>>, vector<1x96xf32>
    %add3A_77 = vector.broadcast %get3A_76 : vector<1x96xf32> to vector<3136x96xf32>
    %add3A_78 = arith.addf %mul3A_73, %add3A_77 : vector<3136x96xf32>
    %swap3A = arith.constant 0 : index
    %swap3A_79 = arith.constant 0 : index
    %swap3A_80 = arith.constant 0 : index
    %swap3A_81 = vector.load %arg9[%swap3A, %swap3A_79, %swap3A_80] : memref<1x3136x96xf32, #tpu.memory_space<vmem>>, vector<1x3136x96xf32>
    %swap3A_82 = vector.shape_cast %swap3A_81 : vector<1x3136x96xf32> to vector<3136x96xf32>
    %swap3A_83 = vector.shape_cast %add3A_78 : vector<3136x96xf32> to vector<1x3136x96xf32>
    tpu.vector_store %arg9[%swap3A, %swap3A_79, %swap3A_80], %swap3A_83 {strides = array<i32>} : memref<1x3136x96xf32, #tpu.memory_space<vmem>>, vector<1x3136x96xf32>,
    return
  }
  func.func @transform_0(%arg0: i32) -> (i32, i32, i32) {
    %c0_i32 = arith.constant 0 : i32
    %c0_i32_0 = arith.constant 0 : i32
    %c0_i32_1 = arith.constant 0 : i32
    return %arg0, %c0_i32, %c0_i32_0 : i32, i32, i32
  }
  func.func @transform_1(%arg0: i32) -> (i32, i32, i32) {
    %c0_i32 = arith.constant 0 : i32
    %c0_i32_0 = arith.constant 0 : i32
    %c0_i32_1 = arith.constant 0 : i32
    return %arg0, %c0_i32, %c0_i32_0 : i32, i32, i32
  }
  func.func @transform_2(%arg0: i32) -> (i32, i32) {
    %c0_i32 = arith.constant 0 : i32
    %c0_i32_0 = arith.constant 0 : i32
    %c0_i32_1 = arith.constant 0 : i32
    return %c0_i32, %c0_i32_0 : i32, i32
  }
  func.func @transform_3(%arg0: i32) -> (i32, i32) {
    %c0_i32 = arith.constant 0 : i32
    %c0_i32_0 = arith.constant 0 : i32
    %c0_i32_1 = arith.constant 0 : i32
    return %c0_i32, %c0_i32_0 : i32, i32
  }
  func.func @transform_4(%arg0: i32) -> (i32, i32) {
    %c0_i32 = arith.constant 0 : i32
    %c0_i32_0 = arith.constant 0 : i32
    %c0_i32_1 = arith.constant 0 : i32
    return %c0_i32, %c0_i32_0 : i32, i32
  }
  func.func @transform_5(%arg0: i32) -> (i32, i32) {
    %c0_i32 = arith.constant 0 : i32
    %c0_i32_0 = arith.constant 0 : i32
    %c0_i32_1 = arith.constant 0 : i32
    return %c0_i32, %c0_i32_0 : i32, i32
  }
  func.func @transform_6(%arg0: i32) -> (i32, i32) {
    %c0_i32 = arith.constant 0 : i32
    %c0_i32_0 = arith.constant 0 : i32
    %c0_i32_1 = arith.constant 0 : i32
    return %c0_i32, %c0_i32_0 : i32, i32
  }
  func.func @transform_7(%arg0: i32) -> (i32, i32) {
    %c0_i32 = arith.constant 0 : i32
    %c0_i32_0 = arith.constant 0 : i32
    %c0_i32_1 = arith.constant 0 : i32
    return %c0_i32, %c0_i32_0 : i32, i32
  }
  func.func @transform_8(%arg0: i32) -> (i32, i32, i32) {
    %c0_i32 = arith.constant 0 : i32
    %c0_i32_0 = arith.constant 0 : i32
    %c0_i32_1 = arith.constant 0 : i32
    return %arg0, %c0_i32, %c0_i32_0 : i32, i32, i32
  }
}

</mosaic_0001>

<sc_bundles>
// kernel: kernel.5.cloned.1.call-start
scs
__scs_entry_jumppad:
0x0: {  	(pc) =	sbr.rel $0x88, $3  }
0x1: {  	(tag) =	ssettag $0x0;
	lr =	simm.s32 $0x1  }
0x2: {  	[smem:$0x3F97] =	sst lr;
	_ =	strace $0xD0000000  }
0x3: {  	_ = 	snop  }
0x4: {  	_ = 	snop  }
0x5: {  	_ = 	snop  }
0x6: {  	_ = 	snop  }
0x7: {  	_ = 	snop  }
__scs_overlays_trampoline_lowered:
0x8: {  	[smem:$0x3FA6] =	sst s0  }
0x9: {  	[smem:$0x3FA7] =	sst s1  }
0xa: {  	[smem:$0x3FA8] =	sst s2  }
0xb: {  	[smem:$0x3FA9] =	sst s3  }
0xc: {  	[smem:$0x3FAA] =	sst s4  }
0xd: {  	[smem:$0x3FAB] =	sst s5  }
0xe: {  	[smem:$0x3FAC] =	sst s6  }
0xf: {  	[smem:$0x3FAD] =	sst s7  }
0x10: {  	[smem:$0x3FAE] =	sst s8  }
0x11: {  	[smem:$0x3FAF] =	sst s9;
	s0 =	simm.s32 @!p0 $0x0  }
0x12: {  	s1 =	sld [smem:$0x3F95];
	s0 =	simm.s32 @p0 $0x1  }
0x13: {  	[smem:$0x3FB0] =	sst s0;
	s0 =	simm.s32 @!p1 $0x0  }
0x14: {  	s2 =	sld [smem:$0x3F94];
	s0 =	simm.s32 @p1 $0x1  }
0x15: {  	[smem:$0x3FB1] =	sst s0;
	s0 =	simm.s32 @!p2 $0x0  }
0x16: {  	s3 =	sld [smem:$0x3FDB];
	s0 =	simm.s32 @p2 $0x1  }
0x17: {  	s4 =	simm.s32 $0x1BF5;
	[smem:$0x3FB3] =	sst s0  }
0x18: {  	s0 =	sld [smem:$0x3F96];
	_ =	swait.ge [sflag:s4], $0x0  }
0x19: {  	s7 =	sld [smem:$0x3F97]  }
0x1a: {  	s8 =	sadd.s32 $0xFFFFE003, lr  }
0x1b: {  	s9 =	sadd.s32 $0xFFFFFEF7, lr;
	s5 =	simm.s32 $0xFFFFFFFF;
	p2 =	slt.u32 s8, $0xFFFFF086  }
0x1c: {  	p1 =	slt.u32 s9, $0xF7A;
	s5 =	simm.s32 @!p2 $0x0  }
0x1d: {  	s5 =	simm.s32 @p1 $0x1;
	p0 =	seq.s32 s7, s2  }
0x1e: {  	s7 =	smul.u32 @!p0 $0xF7A, s2;
	p2 =	seq.s32 @!p0 s5, $0x0  }
0x1f: {  	s9 =	smul.u32 $0xF7A, s1;
	s8 =	simm.s32 @!p0 $0x1BF5;
	p2 =	por !p2, p0  }
0x20: {  	[sflag:s8] =	ssyncset.s32 @!p0 $0xFFFFF086;
	s6 =	sadd.s32 @!p0 s3, s7;
	s7 =	simm.s32 @!p0 $0x108  }
0x21: {  	s3 =	sadd.s32 s3, s9;
	s6 =	sadd.s32 @!p0 $0x88, s6;
	s7 =	simm.s32 @p2 $0x1082  }
0x22: {  	[simem:s7], [sflag:s8] =	dma.local @!p0 [hbm:s6], $0xF7A  }
0x23: {  	s9 =	sor.u32 $0xD0000000, s2;
	s6 =	simm.s32 $0x108;
	_ =	swait.ge @!p0 [sflag:s8], $0x0  }
0x24: {  	s3 =	sadd.s32 $0x88, s3;
	s6 =	simm.s32 @!p1 $0x1082;
	[sflag:s4] =	ssyncset.s32 $0xFFFFF086  }
0x25: {  	[simem:s6], [sflag:s4] =	dma.local [hbm:s3], $0xF7A  }
0x26: {  	[smem:$0x3F97] =	sst s1;
	(tag) =	ssettag s2;
	_ =	strace s9  }
0x27: {  	s1 =	sld [smem:$0x3FA7]  }
0x28: {  	s2 =	sld [smem:$0x3FA8]  }
0x29: {  	s4 =	sld [smem:$0x3FAA]  }
0x2a: {  	p0 =	seq.s32 s5, $0x0;
	s5 =	sld [smem:$0x3FAB]  }
0x2b: {  	s6 =	sld [smem:$0x3FAC]  }
0x2c: {  	s7 =	sld [smem:$0x3FAD]  }
0x2d: {  	s3 =	simm.s32 $0x108;
	s8 =	sld [smem:$0x3FAE]  }
0x2e: {  	s3 =	simm.s32 @!p0 $0x1082;
	s9 =	sld [smem:$0x3FAF]  }
0x2f: {  	lr =	sadd.s32 s0, s3;
	s0 =	sld [smem:$0x3FA6]  }
0x30: {  	s3 =	sld [smem:$0x3FA9]  }
0x31: {  	[smem:$0x3FB2] =	sst s10  }
0x32: {  	s10 =	sld [smem:$0x3FB0];
	_ =	sdelay $0x3  }
0x33: {  	p0 =	seq.s32 s10, $0x1;
	s10 =	sld [smem:$0x3FB2];
	_ =	sdelay $0x3  }
0x34: {  	[smem:$0x3FB2] =	sst s10  }
0x35: {  	s10 =	sld [smem:$0x3FB1];
	_ =	sdelay $0x3  }
0x36: {  	p1 =	seq.s32 s10, $0x1;
	s10 =	sld [smem:$0x3FB2];
	_ =	sdelay $0x3  }
0x37: {  	[smem:$0x3FB2] =	sst s10  }
0x38: {  	s10 =	sld [smem:$0x3FB3]  }
0x39: {  	_ = 	snop;
	(pc) =	sbr.ind lr, $3  }
0x3a: {  	_ = 	snop  }
0x3b: {  	_ = 	snop  }
0x3c: {  	p2 =	seq.s32 s10, $0x1;
	s10 =	sld [smem:$0x3FB2]  }
0x3d: {  	_ =	shalt  }
0x3e: {  	_ =	shalt  }
0x3f: {  	_ =	shalt  }
0x40: {  	_ =	shalt  }
0x41: {  	_ =	shalt  }
0x42: {  	_ =	shalt  }
0x43: {  	_ =	shalt  }
0x44: {  	_ =	shalt  }
0x45: {  	_ =	shalt  }
0x46: {  	_ =	shalt  }
0x47: {  	_ =	shalt  }
0x48: {  	_ =	shalt  }
0x49: {  	_ =	shalt  }
0x4a: {  	_ =	shalt  }
0x4b: {  	_ =	shalt  }
0x4c: {  	_ =	shalt  }
0x4d: {  	_ =	shalt  }
0x4e: {  	_ =	shalt  }
0x4f: {  	_ =	shalt  }
0x50: {  	_ =	shalt  }
0x51: {  	_ =	shalt  }
0x52: {  	_ =	shalt  }
0x53: {  	_ =	shalt  }
0x54: {  	_ =	shalt  }
0x55: {  	_ =	shalt  }
0x56: {  	_ =	shalt  }
0x57: {  	_ =	shalt  }
0x58: {  	_ =	shalt  }
0x59: {  	_ =	shalt  }
0x5a: {  	_ =	shalt  }
0x5b: {  	_ =	shalt  }
0x5c: {  	_ =	shalt  }
0x5d: {  	_ =	shalt  }
0x5e: {  	_ =	shalt  }
0x5f: {  	_ =	shalt  }
0x60: {  	_ =	shalt  }
0x61: {  	_ =	shalt  }
0x62: {  	_ =	shalt  }
0x63: {  	_ =	shalt  }
0x64: {  	_ =	shalt  }
0x65: {  	_ =	shalt  }
0x66: {  	_ =	shalt  }
0x67: {  	_ =	shalt  }
0x68: {  	_ =	shalt  }
0x69: {  	_ =	shalt  }
0x6a: {  	_ =	shalt  }
0x6b: {  	_ =	shalt  }
0x6c: {  	_ =	shalt  }
0x6d: {  	_ =	shalt  }
0x6e: {  	_ =	shalt  }
0x6f: {  	_ =	shalt  }
0x70: {  	_ =	shalt  }
0x71: {  	_ =	shalt  }
0x72: {  	_ =	shalt  }
0x73: {  	_ =	shalt  }
0x74: {  	_ =	shalt  }
0x75: {  	_ =	shalt  }
0x76: {  	_ =	shalt  }
0x77: {  	_ =	shalt  }
0x78: {  	_ =	shalt  }
0x79: {  	_ =	shalt  }
0x7a: {  	_ =	shalt  }
0x7b: {  	_ =	shalt  }
0x7c: {  	_ =	shalt  }
0x7d: {  	_ =	shalt  }
0x7e: {  	_ =	shalt  }
0x7f: {  	_ =	shalt  }
0x80: {  	_ =	shalt  }
0x81: {  	_ =	shalt  }
0x82: {  	_ =	shalt  }
0x83: {  	_ =	shalt  }
0x84: {  	_ =	shalt  }
0x85: {  	_ =	shalt  }
0x86: {  	_ =	shalt  }
0x87: {  	_ =	shalt  }
.Lfunc_end0:
.L_simem_size_0:
called_computation_lowered:
.L_overlay_start_0:
0x88: {  	s2 =	sld [smem:$0x3FD9]  }
0x89: {  	s3 =	sld [smem:$0x3FFE];
	_ =	sdelay $0x1  }
0x8a: {  	s1 =	srdreg.scid  }
0x8b: {  	s0 =	sand.u32 $0x1, s1  }
0x8c: {  	s17 =	sshll.u32 s0, $0xA;
	s2 =	sadd.s32 s3, s2  }
0x8d: {  	s2 =	sadd.s32 s2, s17  }
0x8e: {  	[smem:$0x3FBE] =	sst s2  }
0x8f: {  	_ = 	snop  }
0x90: {  	s2 =	sld [smem:$0x3FD0];
	(tm) =	ssettm $0x1  }
0x91: {  	s18 =	sld [smem:$0x3FFB];
	_ =	sdelay $0x3  }
0x92: {  	_ =	strace s18  }
0x93: {  	s3 =	sld [smem:$0x3FFC];
	_ =	sdelay $0x3  }
0x94: {  	_ =	strace s3  }
0x95: {  	s3 =	sld [smem:$0x3FFD];
	_ =	sdelay $0x3  }
0x96: {  	_ =	strace s3  }
0x97: {  	_ =	strace $0x8FFFFFFF  }
0x98: {  	s19 =	sld [smem:$0x3FDB];
	_ =	sdelay $0x1  }
0x99: {  	s4 =	simm.s32 $_scs_section_size  }
0x9a: {  	s5 =	simm.s32 $_size__tile_overlayer_lowered;
	s6 =	simm.s32 $_tile_overlayer_lowered  }
0x9b: {  	s22 =	simm.s32 $0x1BFF;
	s21 =	sshll.u32 s6, $0x1;
	s3 =	sadd.s32 s4, s19  }
0x9c: {  	s7 =	simm.s32 $0x0;
	s20 =	sshll.u32 s5, $0x1;
	s5 =	sadd.s32 s21, s3  }
0x9d: {  	[timem:s7], [sflag:s22] =	dma.local [hbm:s5], s20  }
0x9e: {  	_ =	swait.ge [sflag:s22], s20  }
0x9f: {  	s4 =	ssub.s32 $0x0, s20;
	[sflag:s22] =	ssyncset.done $0x0  }
0xa0: {  	[sflag:s22] =	ssyncadd.s32 s4;
	_ =	sdelay $0x1  }
0xa1: {  	s23 =	simm.s32 $0x1B8B  }
0xa2: {  	_ =	swait.ge [sflag:s23], $0x1  }
0xa3: {  	[sflag:s23] =	ssyncset.done $0x0  }
0xa4: {  	s25 =	simm.s32 $0x1B8E;
	s24 =	sld [smem:$0x3FFE];
	[sflag:s23] =	ssyncadd.s32 $0xFFFFFFFF  }
0xa5: {  	s26 =	simm.s32 $execute0_lowered;
	[smem:$0x3FD2] =	sst s25  }
0xa6: {  	s5 =	sshll.u32 s26, $0x1;
	_ =	strace $0x80000046;
	[dreg:$0x1] =	wrdreg $0xFFFFFFFF  }
0xa7: {  	s28 =	simm.s32 $_size_execute0_lowered;
	s3 =	sadd.s32 s3, s5;
	[dreg:$0x0] =	wrdreg $0x0  }
0xa8: {  	s5 =	sshll.u32 s28, $0x1;
	[dreg:$0x2] =	wrdreg s3  }
0xa9: {  	[dreg:$0x3] =	wrdreg s5  }
0xaa: {  	[dreg:$0x4] =	wrdreg $0xC0  }
0xab: {  	_ =	task [dreg:s7], $0x5FFFF  }
0xac: {  	[dreg:$0x1] =	wrdreg $0xFFFFFFFF  }
0xad: {  	[dreg:$0x0] =	wrdreg $0x60  }
0xae: {  	[dreg:$0x2] =	wrdreg s2  }
0xaf: {  	[dreg:$0x3] =	wrdreg s24  }
0xb0: {  	[dreg:$0x4] =	wrdreg $0x9  }
0xb1: {  	_ =	task.clear_ibuf [dreg:s7], $0x5FFFF;
	_ =	strace $0x90000046  }
0xb2: {  	s29 =	simm.s32 $0x9;
	_ =	strace $0x80000048  }
0xb3: {  	_ =	swait.ge [sflag:s29], $0x1  }
0xb4: {  	[sflag:s29] =	ssyncadd.s32 $0xFFFFFFFF  }
0xb5: {  	_ =	strace $0x90000048  }
0xb6: {  	_ =	sfence  }
0xb7: {  	s30 =	sld [smem:$0x0];
	_ =	sdelay $0x2  }
0xb8: {  	s31 =	sshll.u32 s1, $0xD;
	s1 =	sshrl.u32 s1, $0x2  }
0xb9: {  	s3 =	sand.u32 $0x4000, s31;
	s1 =	sadd.s32 s1, s30  }
0xba: {  	s0 =	sor.u32 s3, s0;
	s1 =	sshll.u32 s1, $0x11  }
0xbb: {  	s0 =	sor.u32 s1, s0  }
0xbc: {  	s0 =	sadd.s32 $0x8F2B, s0  }
0xbd: {  	[sflag:s0] =	ssyncadd.remote.s32 $0x1  }
0xbe: {  	_ =	sfence.sel $0xFFFF  }
0xbf: {  	[dreg:$0x0] =	wrdreg $0xFFFFFFFF;
	(pc) =	sbr.abs _section_cstart, $3  }
0xc0: {  	[dreg:$0x1] =	wrdreg $0xFFFFFFFF  }
0xc1: {  	_ =	task.clear_ibuf [dreg:s7], $0x2FFFF;
	_ =	strace $0x9FFFFFFF  }
0xc2: {  	(tm) =	ssettm $0x7FFFFFFF  }
0xc3: {  	_ =	shalt  }
tec
execute0_lowered:
.L_overlay_start_1:
0x0: {  	(tag) =	ssettag $0x1  }
0x1: {  	s1 =	stileid.u32  }
0x2: {  	p0 =	sgt.u32 s1, $0xD  }
.Ltmp0:
0x3: {  	_ = 	snop;
	(pc) =	sbr.rel @p0 .LBB2_7-.Ltmp0, $4  }
0x4: {  	s3 =	rddreg [dreg:$0x0]  }
0x5: {  	s4 =	rddreg [dreg:$0x1];
	s2 =	simm.s32 $0x0  }
0x6: {  	[smem:$0x7FF] =	sst s2  }
0x7: {  	s0 =	rddreg [dreg:$0x2];
	_ =	strace $0x80000047  }
0x8: {  	s5 =	srdreg.scid;
	s7 =	smul.u32 $0x7000, s1  }
0x9: {  	s25 =	sadd.s32 $0x2000, s4;
	s9 =	sadd.s32 $0x1A800, s4;
	s5 =	sand.u32 $0x1, s5  }
0xa: {  	s28 =	sshll.u32 s1, $0x8;
	p0 =	sne.s32 s1, $0xD;
	s6 =	smul.u32 $0x62000, s5  }
0xb: {  	s13 =	simm.s32 $0x2;
	s26 =	smul.u32 $0xE00, s5;
	s11 =	ssub.s32 $0x2, s5  }
0xc: {  	s14 =	simm.s32 $0x0;
	s30 =	sshrl.u32 s11, $0x1;
	s6 =	sadd.s32 s7, s6  }
0xd: {  	s29 =	sadd.s32 s28, s26;
	s31 =	ssub.s32 s11, s30;
	s8 =	sshrl.u32 s6, $0x3  }
0xe: {  	s11 =	simm.s32 $0x1;
	s12 =	sshrl.u32 s29, $0x3;
	s10 =	sadd.s32 s8, s4  }
0xf: {  	s3 =	sadd.s32 s3, s8;
	s6 =	sadd.s32 s9, s12;
	s7 =	sadd.s32 s25, s8  }
0x10: {  	s8 =	smax.u32 s31, $0x1;
	s9 =	simm.s32 $0x7400;
	s12 =	simm.s32 $0xE400  }
0x11: {  	s4 =	sadd.s32 $0xE00, s3;
	s5 =	sadd.s32 $0x1AC00, s10;
	s10 =	simm.s32 $0x15400  }
.LBB2_2:
0x12: {  	[tilespmem:s2], [sflag:$0x1] =	stream.linear.gather [hbm4b:s3+s2], $0x7000, $0x38;
	[tilespmem:$0x15500] =	vst v63  }
0x13: {  	_ = 	snop  }
0x14: {  	[tilespmem:s9], [sflag:$0x1] =	stream.linear.gather [hbm4b:s7+s2], $0x7000, $0x38;
	[tilespmem:$0x15500] =	vst v63  }
0x15: {  	_ = 	snop  }
0x16: {  	[tilespmem:s10], [sflag:$0x1] =	stream.linear.gather [hbm4b:s6+s2], $0x100, $0x38;
	[tilespmem:$0x15500] =	vst v63  }
0x17: {  	s15 =	simm.s32 @p0 $0x0;
	s16 =	simm.s32 @p0 $0x7000  }
0x18: {  	[tilespmem:s16], [sflag:$0x1] =	stream.linear.gather @p0 [hbm4b:s4+s15], $0x80, $0x38;
	[tilespmem:$0x15500] =	vst v63  }
0x19: {  	s15 =	simm.s32 @p0 $0x1  }
0x1a: {  	_ =	swait.ge @p0 [sflag:s15], $0x80  }
0x1b: {  	[sflag:s15] =	ssyncset.done @p0 $0x0  }
0x1c: {  	v0 =	vimm.f32 @!p0 $0.0e+00;
	[sflag:s15] =	ssyncadd.s32 @p0 $0xFFFFFF80  }
0x1d: {  	[tilespmem:$0x7000] =	vst @!p0 v0  }
0x1e: {  	[tilespmem:$0x7010] =	vst @!p0 v0  }
0x1f: {  	[tilespmem:$0x7020] =	vst @!p0 v0  }
0x20: {  	[tilespmem:$0x7030] =	vst @!p0 v0  }
0x21: {  	[tilespmem:$0x7040] =	vst @!p0 v0  }
0x22: {  	[tilespmem:$0x7050] =	vst @!p0 v0  }
0x23: {  	_ =	swait.ge [sflag:s11], $0x7000  }
0x24: {  	[sflag:s11] =	ssyncset.done $0x0  }
0x25: {  	[sflag:s11] =	ssyncadd.s32 $0xFFFF9000  }
0x26: {  	_ =	swait.ge [sflag:s11], $0x7000  }
0x27: {  	[sflag:s11] =	ssyncset.done $0x0  }
0x28: {  	[sflag:s11] =	ssyncadd.s32 $0xFFFF9000  }
0x29: {  	_ =	swait.ge [sflag:s11], $0x100  }
0x2a: {  	[sflag:s11] =	ssyncset.done $0x0  }
0x2b: {  	[sflag:s11] =	ssyncadd.s32 $0xFFFFFF00  }
0x2c: {  	v1 =	vld [tilespmem:$0x15400]  }
0x2d: {  	v4 =	vld [tilespmem:$0x15410]  }
0x2e: {  	v3 =	vld [tilespmem:$0x15420]  }
0x2f: {  	v2 =	vld [tilespmem:$0x15430]  }
0x30: {  	v6 =	vld [tilespmem:$0x15440]  }
0x31: {  	s15 =	simm.s32 $0x0;
	v9 =	vld [tilespmem:$0x15450]  }
0x32: {  	v0 =	vld [tilespmem:s15+$0x7430]  }
0x33: {  	v14 =	vld [tilespmem:s15+$0x7450]  }
0x34: {  	v5 =	vld [tilespmem:s15+$0x7440]  }
0x35: {  	v12 =	vld [tilespmem:s15+$0x50]  }
0x36: {  	v8 =	vld [tilespmem:s15+$0x10]  }
0x37: {  	v13 =	vld [tilespmem:s15+$0x40]  }
0x38: {  	v7 =	vld [tilespmem:s15+$0x0]  }
0x39: {  	v10 =	vld [tilespmem:s15+$0x20]  }
0x3a: {  	v11 =	vld [tilespmem:s15+$0x30];
	v15 =	vmul.f32 v12, v9  }
0x3b: {  	v12 =	vld [tilespmem:s15+$0x7410]  }
0x3c: {  	s16 =	simm.s32 $0x200;
	v9 =	vld [tilespmem:s15+$0x7420];
	v13 =	vmul.f32 v13, v6;
	v6 =	vadd.f32 v14, v15  }
.LBB2_3:
0x3d: {  	s17 =	sshra.s32 s16, $0x2;
	p1 =	sne.s32 s16, $0x1BE00;
	s16 =	sadd.s32 $0x200, s16;
	v14 =	vld [tilespmem:s15+$0x7400]  }
0x3e: {  	v4 =	vmul.f32 v8, v4;
	v15 =	vld [tilespmem:s17+$0x7430];
	v13 =	vadd.f32 v5, v13;
	[tilespmem:s15+$0xE450] =	vst v6  }
0x3f: {  	v3 =	vmul.f32 v10, v3;
	v16 =	vld [tilespmem:s17+$0x7450];
	v2 =	vmul.f32 v11, v2  }
0x40: {  	v1 =	vmul.f32 v7, v1;
	v5 =	vld [tilespmem:s17+$0x7440];
	v4 =	vadd.f32 v12, v4;
	[tilespmem:s15+$0xE440] =	vst v13  }
0x41: {  	v12 =	vld [tilespmem:s17+$0x50];
	v3 =	vadd.f32 v9, v3;
	v2 =	vadd.f32 v0, v2  }
0x42: {  	v8 =	vld [tilespmem:s17+$0x10];
	v1 =	vadd.f32 v14, v1;
	[tilespmem:s15+$0xE410] =	vst v4  }
0x43: {  	v14 =	vld [tilespmem:s17+$0x40];
	[tilespmem:s15+$0xE420] =	vst v3;
	v0 =	vmov v15  }
.Ltmp1:
0x44: {  	v7 =	vld [tilespmem:s17+$0x0];
	[tilespmem:s15+$0xE400] =	vst v1;
	(pc) =	sbr.rel @p1 .LBB2_3-.Ltmp1, $4  }
0x45: {  	v10 =	vld [tilespmem:s17+$0x20];
	[tilespmem:s15+$0xE430] =	vst v2;
	s15 =	smov.u32 s17  }
0x46: {  	v11 =	vld [tilespmem:s15+$0x30];
	v6 =	vmul.f32 v12, v6  }
0x47: {  	v12 =	vld [tilespmem:s15+$0x7410]  }
0x48: {  	v9 =	vld [tilespmem:s15+$0x7420];
	v13 =	vmul.f32 v14, v13;
	v6 =	vadd.f32 v16, v6  }
0x49: {  	_ = 	snop  }
0x4a: {  	v14 =	vld [tilespmem:s15+$0x7400];
	v4 =	vmul.f32 v8, v4  }
0x4b: {  	v5 =	vadd.f32 v5, v13;
	v3 =	vmul.f32 v10, v3  }
0x4c: {  	[tilespmem:s15+$0xE450] =	vst v6;
	v2 =	vmul.f32 v11, v2;
	v4 =	vadd.f32 v12, v4  }
0x4d: {  	v1 =	vmul.f32 v7, v1;
	[tilespmem:s15+$0xE440] =	vst v5;
	v3 =	vadd.f32 v9, v3  }
0x4e: {  	v0 =	vadd.f32 v0, v2;
	[tilespmem:s15+$0xE410] =	vst v4  }
0x4f: {  	v1 =	vadd.f32 v14, v1;
	[tilespmem:s15+$0xE420] =	vst v3  }
0x50: {  	[tilespmem:s15+$0xE430] =	vst v0  }
0x51: {  	[tilespmem:s15+$0xE400] =	vst v1  }
0x52: {  	v9 =	vld [tilespmem:$0x15480]  }
0x53: {  	v10 =	vld [tilespmem:$0x15490]  }
0x54: {  	v11 =	vld [tilespmem:$0x154A0]  }
0x55: {  	v6 =	vld [tilespmem:$0x154B0]  }
0x56: {  	v4 =	vld [tilespmem:$0x154C0]  }
0x57: {  	s15 =	simm.s32 $0x0;
	v2 =	vld [tilespmem:$0x154D0]  }
0x58: {  	v7 =	vld [tilespmem:s15+$0xE380]  }
0x59: {  	v8 =	vld [tilespmem:s15+$0xE390]  }
0x5a: {  	v5 =	vld [tilespmem:s15+$0xE3A0]  }
0x5b: {  	v3 =	vld [tilespmem:s15+$0xE3B0]  }
0x5c: {  	v1 =	vld [tilespmem:s15+$0xE3C0]  }
0x5d: {  	v0 =	vld [tilespmem:s15+$0xE3D0]  }
0x5e: {  	v14 =	vld [tilespmem:s15+$0x7000]  }
0x5f: {  	v16 =	vld [tilespmem:s15+$0x7010]  }
0x60: {  	v17 =	vld [tilespmem:s15+$0x7020]  }
0x61: {  	v18 =	vld [tilespmem:s15+$0x7030]  }
0x62: {  	v15 =	vld [tilespmem:s15+$0x7040]  }
0x63: {  	v13 =	vld [tilespmem:s15+$0x7050]  }
0x64: {  	s16 =	simm.s32 $0xFFFFFE00;
	v12 =	vld [tilespmem:s15+$0x15380]  }
.LBB2_5:
0x65: {  	p1 =	sne.s32 s16, $0xFFFE4200;
	v9 =	vmul.f32 v14, v9;
	v10 =	vmul.f32 v16, v10;
	v14 =	vld [tilespmem:s15+$0x15390]  }
0x66: {  	v11 =	vmul.f32 v17, v11;
	v16 =	vld [tilespmem:s15+$0x153A0];
	v6 =	vmul.f32 v18, v6  }
0x67: {  	v9 =	vadd.f32 v7, v9;
	v10 =	vadd.f32 v8, v10;
	v17 =	vld [tilespmem:s15+$0x153B0];
	v4 =	vmul.f32 v15, v4  }
0x68: {  	v11 =	vadd.f32 v5, v11;
	v6 =	vadd.f32 v3, v6;
	v15 =	vld [tilespmem:s15+$0x153C0];
	v2 =	vmul.f32 v13, v2  }
0x69: {  	s17 =	sshra.s32 s16, $0x2;
	v12 =	vadd.f32 v9, v12;
	v4 =	vadd.f32 v1, v4;
	v13 =	vld [tilespmem:s15+$0x153D0]  }
0x6a: {  	v18 =	vld [tilespmem:s17+$0xE380];
	v14 =	vadd.f32 v10, v14;
	v2 =	vadd.f32 v0, v2  }
0x6b: {  	v19 =	vld [tilespmem:s17+$0xE390];
	v7 =	vsub.f32 v12, v7;
	v12 =	vadd.f32 v11, v16  }
0x6c: {  	v20 =	vld [tilespmem:s17+$0xE3A0];
	v8 =	vsub.f32 v14, v8;
	v14 =	vadd.f32 v6, v17  }
0x6d: {  	v21 =	vld [tilespmem:s17+$0xE3B0];
	[tilespmem:s15+$0x15380] =	vst v7;
	v5 =	vsub.f32 v12, v5;
	v15 =	vadd.f32 v4, v15  }
0x6e: {  	v12 =	vld [tilespmem:s17+$0xE3C0];
	[tilespmem:s15+$0x15390] =	vst v8;
	v3 =	vsub.f32 v14, v3;
	v16 =	vadd.f32 v2, v13  }
0x6f: {  	v13 =	vld [tilespmem:s17+$0xE3D0];
	[tilespmem:s15+$0x153A0] =	vst v5;
	v1 =	vsub.f32 v15, v1;
	v7 =	vmov v18  }
0x70: {  	v14 =	vld [tilespmem:s17+$0x7000];
	[tilespmem:s15+$0x153B0] =	vst v3;
	v0 =	vsub.f32 v16, v0;
	v8 =	vmov v19  }
0x71: {  	v16 =	vld [tilespmem:s17+$0x7010];
	[tilespmem:s15+$0x153C0] =	vst v1;
	v5 =	vmov v20  }
.Ltmp2:
0x72: {  	v17 =	vld [tilespmem:s17+$0x7020];
	[tilespmem:s15+$0x153D0] =	vst v0;
	v3 =	vmov v21;
	s15 =	smov.u32 s17;
	(pc) =	sbr.rel @p1 .LBB2_5-.Ltmp2, $4  }
0x73: {  	v18 =	vld [tilespmem:s15+$0x7030];
	v1 =	vmov v12  }
0x74: {  	v15 =	vld [tilespmem:s15+$0x7040];
	v0 =	vmov v13  }
0x75: {  	v13 =	vld [tilespmem:s15+$0x7050]  }
0x76: {  	s16 =	sadd.s32 $0xFFFFFE00, s16;
	v12 =	vld [tilespmem:s15+$0x15380]  }
0x77: {  	v9 =	vmul.f32 v14, v9;
	v10 =	vmul.f32 v16, v10;
	v52 =	vld [tilespmem:s15+$0x15390]  }
0x78: {  	v11 =	vmul.f32 v17, v11;
	v53 =	vld [tilespmem:s15+$0x153A0];
	v6 =	vmul.f32 v18, v6  }
0x79: {  	v54 =	vld [tilespmem:s15+$0x153B0];
	v9 =	vadd.f32 v7, v9;
	v10 =	vadd.f32 v8, v10;
	v4 =	vmul.f32 v15, v4  }
0x7a: {  	v55 =	vld [tilespmem:s15+$0x153C0];
	v11 =	vadd.f32 v5, v11;
	v6 =	vadd.f32 v3, v6;
	v2 =	vmul.f32 v13, v2  }
0x7b: {  	v56 =	vld [tilespmem:s15+$0x153D0];
	v9 =	vadd.f32 v9, v12;
	v4 =	vadd.f32 v1, v4  }
0x7c: {  	v10 =	vadd.f32 v10, v52;
	v2 =	vadd.f32 v0, v2  }
0x7d: {  	v58 =	vadd.f32 v11, v53;
	v57 =	vsub.f32 v9, v7  }
0x7e: {  	v6 =	vadd.f32 v6, v54;
	v59 =	vsub.f32 v10, v8  }
0x7f: {  	v4 =	vadd.f32 v4, v55;
	v60 =	vsub.f32 v58, v5;
	[tilespmem:s15+$0x15380] =	vst v57  }
0x80: {  	v61 =	vsub.f32 v6, v3;
	v2 =	vadd.f32 v2, v56;
	[tilespmem:s15+$0x15390] =	vst v59  }
0x81: {  	v62 =	vsub.f32 v4, v1;
	[tilespmem:s15+$0x153A0] =	vst v60  }
0x82: {  	s14 =	sadd.s32 $0x1, s14;
	[tilespmem:s15+$0x153B0] =	vst v61;
	v63 =	vsub.f32 v2, v0  }
0x83: {  	p1 =	sne.s32 s14, s8;
	[tilespmem:s15+$0x153C0] =	vst v62  }
.Ltmp3:
0x84: {  	[tilespmem:s15+$0x153D0] =	vst v63;
	(pc) =	sbr.rel @p1 .LBB2_2-.Ltmp3, $4  }
0x85: {  	[hbm4b:s5+s2] =	stream.linear.scatter [tilespmem:s12], [sflag:$0x2], $0x7000, $0x38;
	[tilespmem:$0x15500] =	vst v63  }
0x86: {  	_ =	swait.ge [sflag:s13], $0x7000  }
0x87: {  	[sflag:s13] =	ssyncset.done $0x0  }
0x88: {  	[sflag:s13] =	ssyncadd.s32 $0xFFFF9000  }
.LBB2_7:
0x89: {  	_ =	sfence.sel $0x180000  }
0x8a: {  	[bflag:$0x0] =	sbarrier.arrive $0xFFFF  }
0x8b: {  	p0 =	sne.s32 s1, $0x0;
	_ =	strace $0x90000047  }
0x8c: {  	s0 =	sadd.s32 @!p0 $0x100000, s0;
	[bflag:$0x2] =	sbarrier.arrive $0xFFFF  }
0x8d: {  	[sflag:s0] =	ssyncadd.tile.s32 @!p0 $0x1;
	_ =	shalt  }
.Lfunc_end2:
_tile_overlayer_lowered:
.L_overlay_start_2:
0x8e: {  	(tag) =	ssettag $0x2  }
0x8f: {  	s0 =	rddreg [dreg:$0x0];
	s2 =	stileid.u32  }
0x90: {  	s1 =	rddreg [dreg:$0x1];
	p0 =	sne.s32 s2, $0x0  }
0x91: {  	s3 =	rddreg [dreg:$0x2];
	[bflag:$0x3] =	sbarrier.arrive $0xFFFF;
	s2 =	simm.s32 @!p0 $0x1C02  }
0x92: {  	[timem:s3], [sflag:s2] =	dma.local @!p0 [hbm:s0], s1  }
0x93: {  	s0 =	simm.s32 @!p0 $0x2  }
0x94: {  	_ =	swait.ge @!p0 [sflag:s0], s1  }
0x95: {  	s1 =	ssub.s32 @!p0 $0x0, s1;
	[sflag:s0] =	ssyncset.done @!p0 $0x0  }
0x96: {  	[sflag:s0] =	ssyncadd.s32 @!p0 s1  }
0x97: {  	[bflag:$0x3] =	sbarrier.arrive $0xFFFF  }
0x98: {  	_ =	shalt  }

</sc_bundles>
